<compile_context>
chip_gen: v7x
topology: tpu7x:2x2x1
jax: 0.10.2.dev20260603
libtpu: 0.0.44.dev20260713+nightly
codegen_flags: <defaults>
</compile_context>

<pallas_src>
import functools

import jax
import jax.numpy as jnp
from jax import lax
from jax.experimental import pallas as pl
from jax.experimental.pallas import tpu as pltpu
from jax.experimental.pallas import tpu_sc as plsc

BATCH = 16
LANES = 16
NC = 2
NS = 16
NW = NC * NS
CHUNK = 128
NBUF = 4
RU = 8
TBLK = 8192


def _tc_repack(table_t):
    d, v = table_t.shape
    n_blk = (v + TBLK - 1) // TBLK
    half = TBLK // 2

    def body(a_ref, o_ref):
        ident = jnp.eye(d, dtype=jnp.float32)
        a = a_ref[...]
        t = a.T
        t0 = t[:half]
        t1 = t[half:]
        o_ref[:, :d] = t0
        o_ref[:, d:] = t1

    return pl.pallas_call(
        body,
        grid=(n_blk,),
        in_specs=[pl.BlockSpec((d, TBLK), lambda j: (0, j))],
        out_specs=pl.BlockSpec((half, 2 * d), lambda j: (j, 0)),
        out_shape=jax.ShapeDtypeStruct((n_blk * half, 2 * d), jnp.float32),
    )(table_t)


def _sc_partial_sums(rowidx3, table64, n_chunks):
    d = table64.shape[1]
    mesh = plsc.VectorSubcoreMesh(
        core_axis_name="c", subcore_axis_name="s",
        num_cores=NC, num_subcores=NS)

    @functools.partial(
        pl.kernel,
        out_type=jax.ShapeDtypeStruct((NC, NS, d), jnp.float32),
        mesh=mesh,
        scratch_types=[
            pltpu.VMEM((n_chunks, CHUNK), jnp.int32),
            pltpu.VMEM((NBUF, CHUNK, d), jnp.float32),
            pltpu.VMEM((d,), jnp.float32),
            pltpu.SemaphoreType.DMA,
            pltpu.SemaphoreType.DMA,
            pltpu.SemaphoreType.DMA,
            pltpu.SemaphoreType.DMA,
        ],
        compiler_params=pltpu.CompilerParams(use_tc_tiling_on_sc=False),
    )
    def body(rows_hbm, table_hbm, out_hbm, idx_v, rows_v, acc_v, *sems):
        ci = lax.axis_index("c")
        si = lax.axis_index("s")
        wid = si * NC + ci
        pltpu.sync_copy(rows_hbm.at[wid], idx_v)

        for p in range(NBUF):
            pltpu.async_copy(table_hbm.at[idx_v.at[p]], rows_v.at[p], sems[p])

        zero = jnp.zeros((LANES,), jnp.float32)

        def accum_chunk(rows_p, accs):
            def row_body(r, accs8):
                accs8 = list(accs8)
                for u in range(0, RU, 2):
                    row = r * RU + u
                    for k in range(4):
                        accs8[k] = accs8[k] + rows_p[
                            row, pl.ds(k * LANES, LANES)]
                        accs8[4 + k] = accs8[4 + k] + rows_p[
                            row + 1, pl.ds(k * LANES, LANES)]
                return tuple(accs8)

            accs8 = accs + (zero, zero, zero, zero)
            accs8 = lax.fori_loop(0, CHUNK // RU, row_body, accs8)
            return tuple(accs8[k] + accs8[4 + k] for k in range(4))

        def outer(t, accs):
            for p in range(NBUF):
                j = t * NBUF + p
                pltpu.make_async_copy(
                    table_hbm.at[idx_v.at[j]], rows_v.at[p], sems[p]).wait()
                accs = accum_chunk(rows_v.at[p], accs)

                @pl.when(j + NBUF < n_chunks)
                def _():
                    pltpu.async_copy(
                        table_hbm.at[idx_v.at[j + NBUF]], rows_v.at[p], sems[p])
            return accs

        accs = lax.fori_loop(0, n_chunks // NBUF, outer,
                             (zero, zero, zero, zero))
        for k in range(4):
            acc_v[pl.ds(k * LANES, LANES)] = accs[k]
        pltpu.sync_copy(acc_v, out_hbm.at[ci, si])

    return body(rowidx3, table64)


def _tc_head(partials, fcw_t, bias2d, inv_count):
    num_class = fcw_t.shape[1]

    def body(p_ref, w_ref, b_ref, o_ref):
        pooled = (p_ref[0] + p_ref[1]) * inv_count
        o_ref[...] = jnp.dot(pooled, w_ref[...],
                             preferred_element_type=jnp.float32) + b_ref[...]

    return pl.pallas_call(
        body,
        out_shape=jax.ShapeDtypeStruct((BATCH, num_class), jnp.float32),
    )(partials, fcw_t, bias2d)


def kernel(text, emb_weight, fc_weight, fc_bias):
    n = text.shape[0]
    count = n // BATCH
    per_w = n // NW
    n_chunks = per_w // CHUNK
    assert n % (NW * CHUNK) == 0 and count % per_w == 0
    assert n_chunks % NBUF == 0

    table2 = _tc_repack(emb_weight.T)
    table64 = table2.reshape(-1, table2.shape[1] // 2)

    half = TBLK // 2
    tok = text.astype(jnp.int32)
    row64 = (tok // TBLK) * TBLK + (tok % half) * 2 + (tok // half) % 2
    rowidx3 = row64.reshape(NW, n_chunks, CHUNK)

    partials = _sc_partial_sums(rowidx3, table64, n_chunks)
    fcw_t = fc_weight.T
    bias2d = fc_bias.reshape(1, -1)
    return _tc_head(partials, fcw_t, bias2d, 1.0 / count)

# --- scband reference (transcript-rebuilt; emitter-appended) ---
"""Pipeline reference for scband-text-sentiment-678604833088 (READ-ONLY COPY).

The authoritative reference and input builder live on the scoring server;
editing this copy changes nothing except your own understanding.
"""

import jax, jax.numpy as jnp
import numpy as np

BATCH_SIZE = 16
VOCAB = 1000000
EMBED_DIM = 64
NUM_CLASS = 4
N_TOKENS = 262144

def setup_inputs(seed: int = 0) -> dict:
    key = jax.random.key(seed)
    k1, k2, k3 = jax.random.split(key, 3)
    text = jax.random.randint(k1, (N_TOKENS,), 0, VOCAB, dtype=jnp.int64 if jax.config.jax_enable_x64 else jnp.int32)
    initrange = 0.5
    emb_weight = jax.random.uniform(k2, (VOCAB, EMBED_DIM), dtype=jnp.float32, minval=-initrange, maxval=initrange)
    fc_weight = jax.random.uniform(k3, (NUM_CLASS, EMBED_DIM), dtype=jnp.float32, minval=-initrange, maxval=initrange)
    fc_bias = jnp.zeros((NUM_CLASS,), dtype=jnp.float32)
    return {"text": text, "emb_weight": emb_weight, "fc_weight": fc_weight, "fc_bias": fc_bias}

def reference(text, emb_weight, fc_weight, fc_bias):
    # embedding lookup
    embeded = jnp.take(emb_weight, text, axis=0)  # [N, embed_dim]
    c = embeded.shape[0] // BATCH_SIZE
    embeded = embeded[:BATCH_SIZE * c]
    # transpose(1,0).unsqueeze(0) -> [1, embed_dim, N]; avg_pool1d(kernel=c, stride=c)
    # equivalent to mean over consecutive chunks of length c along the token axis
    pooled = embeded.reshape(BATCH_SIZE, c, EMBED_DIM).mean(axis=1)  # [BATCH_SIZE, embed_dim]
    # fc
    out = pooled @ fc_weight.T + fc_bias  # [BATCH_SIZE, num_class]
    return out

if __name__ == "__main__":
    import jax
    _d = setup_inputs()
    print(jax.jit(kernel)(*tuple(_d.values())))

</pallas_src>

<mosaic_0001>
#map = affine_map<(d0, d1) -> (0, 0, 0)>
#map1 = affine_map<(d0, d1) -> (0, 0)>
module attributes {stable_mosaic.version = 14 : i64} {
  func.func @body(%arg0: i32, %arg1: i32, %arg2: memref<32x64x128xi32, #tpu.memory_space<hbm>>, %arg3: memref<1007616x64xf32, #tpu.memory_space<hbm>>, %arg4: memref<2x16x64xf32, #tpu.memory_space<hbm>>, %arg5: memref<64x128xi32, #tpu.memory_space<vmem>>, %arg6: memref<4x128x64xf32, #tpu.memory_space<vmem>>, %arg7: memref<64xf32, #tpu.memory_space<vmem>>, %arg8: memref<!tpu.dma_semaphore, #tpu.memory_space<semaphore_mem>>, %arg9: memref<!tpu.dma_semaphore, #tpu.memory_space<semaphore_mem>>, %arg10: memref<!tpu.dma_semaphore, #tpu.memory_space<semaphore_mem>>, %arg11: memref<!tpu.dma_semaphore, #tpu.memory_space<semaphore_mem>>) attributes {dimension_semantics = [#tpu.dimension_semantics<core_parallel>, #tpu.dimension_semantics<subcore_parallel>], iteration_bounds = array<i64: 2, 16>, scalar_prefetch = 0 : i64, scratch_operands = 7 : i64, tpu.core_type = #tpu.core_type<sc_vector_subcore>, window_params = [{transform_indices = #map}, {transform_indices = #map1}, {transform_indices = #map}]} {
    %mul3A = arith.constant 2 : i32
    %mul3A_0 = arith.muli %arg1, %mul3A : i32
    %add3A = arith.addi %mul3A_0, %arg0 : i32
    "tpu.region"() ({
      %run_scoped3A = tpu.sem_alloc : memref<!tpu.dma_semaphore, #tpu.memory_space<semaphore_mem>>
      %dma_start3A_69 = arith.constant 0 : i32
      %dma_start3A_70 = arith.constant 0 : i32
      %dma_start3A_71 = tpu.memref_slice %arg2[%add3A, %dma_start3A_69, %dma_start3A_70] : memref<32x64x128xi32, #tpu.memory_space<hbm>> -> memref<1x64x128xi32, #tpu.memory_space<hbm>>
      %dma_start3A_72 = tpu.memref_squeeze %dma_start3A_71 : memref<1x64x128xi32, #tpu.memory_space<hbm>> -> memref<64x128xi32, #tpu.memory_space<hbm>>
      %dma_start3A_73 = arith.constant 0 : i32
      %dma_start3A_74 = arith.constant 0 : i32
      %dma_start3A_75 = tpu.memref_slice %arg2[%add3A, %dma_start3A_73, %dma_start3A_74] : memref<32x64x128xi32, #tpu.memory_space<hbm>> -> memref<1x64x128xi32, #tpu.memory_space<hbm>>
      %dma_start3A_76 = tpu.memref_squeeze %dma_start3A_75 : memref<1x64x128xi32, #tpu.memory_space<hbm>> -> memref<64x128xi32, #tpu.memory_space<hbm>>
      tpu.enqueue_dma source(%dma_start3A_76 : memref<64x128xi32, #tpu.memory_space<hbm>>) target(%arg5 : memref<64x128xi32, #tpu.memory_space<vmem>>) target_semaphore(%run_scoped3A : memref<!tpu.dma_semaphore, #tpu.memory_space<semaphore_mem>>)
      %dma_wait3A = arith.constant 0 : i32
      %dma_wait3A_77 = arith.constant 0 : i32
      %dma_wait3A_78 = tpu.memref_slice %arg2[%add3A, %dma_wait3A, %dma_wait3A_77] : memref<32x64x128xi32, #tpu.memory_space<hbm>> -> memref<1x64x128xi32, #tpu.memory_space<hbm>>
      %dma_wait3A_79 = tpu.memref_squeeze %dma_wait3A_78 : memref<1x64x128xi32, #tpu.memory_space<hbm>> -> memref<64x128xi32, #tpu.memory_space<hbm>>
      %dma_wait3A_80 = arith.constant 0 : i32
      %dma_wait3A_81 = arith.constant 0 : i32
      %dma_wait3A_82 = tpu.memref_slice %arg2[%add3A, %dma_wait3A_80, %dma_wait3A_81] : memref<32x64x128xi32, #tpu.memory_space<hbm>> -> memref<1x64x128xi32, #tpu.memory_space<hbm>>
      %dma_wait3A_83 = tpu.memref_squeeze %dma_wait3A_82 : memref<1x64x128xi32, #tpu.memory_space<hbm>> -> memref<64x128xi32, #tpu.memory_space<hbm>>
      tpu.wait_dma2 semaphore(%run_scoped3A : memref<!tpu.dma_semaphore, #tpu.memory_space<semaphore_mem>>) src(%dma_wait3A_83 : memref<64x128xi32, #tpu.memory_space<hbm>>) dst(%arg5 : memref<64x128xi32, #tpu.memory_space<vmem>>)
      tpu.yield
    }) : () -> ()
    %dma_start3A = arith.constant 0 : i32
    %dma_start3A_1 = arith.constant 0 : i32
    %dma_start3A_2 = arith.constant 0 : i32
    %dma_start3A_3 = arith.constant 0 : i32
    %dma_start3A_4 = tpu.memref_slice %arg6[%dma_start3A_1, %dma_start3A_2, %dma_start3A_3] : memref<4x128x64xf32, #tpu.memory_space<vmem>> -> memref<1x128x64xf32, #tpu.memory_space<vmem>>
    %dma_start3A_5 = tpu.memref_squeeze %dma_start3A_4 : memref<1x128x64xf32, #tpu.memory_space<vmem>> -> memref<128x64xf32, #tpu.memory_space<vmem>>
    %dma_start3A_6 = arith.constant 0 : i32
    %dma_start3A_7 = tpu.memref_slice %arg5[%dma_start3A, %dma_start3A_6] : memref<64x128xi32, #tpu.memory_space<vmem>> -> memref<1x128xi32, #tpu.memory_space<vmem>>
    %dma_start3A_8 = tpu.memref_squeeze %dma_start3A_7 : memref<1x128xi32, #tpu.memory_space<vmem>> -> memref<128xi32, #tpu.memory_space<vmem>>
    %dma_start3A_9 = arith.constant 0 : i32
    %dma_start3A_10 = arith.constant 0 : i32
    %dma_start3A_11 = tpu.memref_slice %arg3[%dma_start3A_9, %dma_start3A_10] : memref<1007616x64xf32, #tpu.memory_space<hbm>> -> memref<1007616x64xf32, #tpu.memory_space<hbm>>
    tpu.enqueue_indirect_dma source(%dma_start3A_11 : memref<1007616x64xf32, #tpu.memory_space<hbm>>) target(%dma_start3A_5 : memref<128x64xf32, #tpu.memory_space<vmem>>) offsets(%dma_start3A_8 : memref<128xi32, #tpu.memory_space<vmem>>) semaphore(%arg8 : memref<!tpu.dma_semaphore, #tpu.memory_space<semaphore_mem>>)
    %dma_start3A_12 = arith.constant 1 : i32
    %dma_start3A_13 = arith.constant 1 : i32
    %dma_start3A_14 = arith.constant 0 : i32
    %dma_start3A_15 = arith.constant 0 : i32
    %dma_start3A_16 = tpu.memref_slice %arg6[%dma_start3A_13, %dma_start3A_14, %dma_start3A_15] : memref<4x128x64xf32, #tpu.memory_space<vmem>> -> memref<1x128x64xf32, #tpu.memory_space<vmem>>
    %dma_start3A_17 = tpu.memref_squeeze %dma_start3A_16 : memref<1x128x64xf32, #tpu.memory_space<vmem>> -> memref<128x64xf32, #tpu.memory_space<vmem>>
    %dma_start3A_18 = arith.constant 0 : i32
    %dma_start3A_19 = tpu.memref_slice %arg5[%dma_start3A_12, %dma_start3A_18] : memref<64x128xi32, #tpu.memory_space<vmem>> -> memref<1x128xi32, #tpu.memory_space<vmem>>
    %dma_start3A_20 = tpu.memref_squeeze %dma_start3A_19 : memref<1x128xi32, #tpu.memory_space<vmem>> -> memref<128xi32, #tpu.memory_space<vmem>>
    %dma_start3A_21 = arith.constant 0 : i32
    %dma_start3A_22 = arith.constant 0 : i32
    %dma_start3A_23 = tpu.memref_slice %arg3[%dma_start3A_21, %dma_start3A_22] : memref<1007616x64xf32, #tpu.memory_space<hbm>> -> memref<1007616x64xf32, #tpu.memory_space<hbm>>
    tpu.enqueue_indirect_dma source(%dma_start3A_23 : memref<1007616x64xf32, #tpu.memory_space<hbm>>) target(%dma_start3A_17 : memref<128x64xf32, #tpu.memory_space<vmem>>) offsets(%dma_start3A_20 : memref<128xi32, #tpu.memory_space<vmem>>) semaphore(%arg9 : memref<!tpu.dma_semaphore, #tpu.memory_space<semaphore_mem>>)
    %dma_start3A_24 = arith.constant 2 : i32
    %dma_start3A_25 = arith.constant 2 : i32
    %dma_start3A_26 = arith.constant 0 : i32
    %dma_start3A_27 = arith.constant 0 : i32
    %dma_start3A_28 = tpu.memref_slice %arg6[%dma_start3A_25, %dma_start3A_26, %dma_start3A_27] : memref<4x128x64xf32, #tpu.memory_space<vmem>> -> memref<1x128x64xf32, #tpu.memory_space<vmem>>
    %dma_start3A_29 = tpu.memref_squeeze %dma_start3A_28 : memref<1x128x64xf32, #tpu.memory_space<vmem>> -> memref<128x64xf32, #tpu.memory_space<vmem>>
    %dma_start3A_30 = arith.constant 0 : i32
    %dma_start3A_31 = tpu.memref_slice %arg5[%dma_start3A_24, %dma_start3A_30] : memref<64x128xi32, #tpu.memory_space<vmem>> -> memref<1x128xi32, #tpu.memory_space<vmem>>
    %dma_start3A_32 = tpu.memref_squeeze %dma_start3A_31 : memref<1x128xi32, #tpu.memory_space<vmem>> -> memref<128xi32, #tpu.memory_space<vmem>>
    %dma_start3A_33 = arith.constant 0 : i32
    %dma_start3A_34 = arith.constant 0 : i32
    %dma_start3A_35 = tpu.memref_slice %arg3[%dma_start3A_33, %dma_start3A_34] : memref<1007616x64xf32, #tpu.memory_space<hbm>> -> memref<1007616x64xf32, #tpu.memory_space<hbm>>
    tpu.enqueue_indirect_dma source(%dma_start3A_35 : memref<1007616x64xf32, #tpu.memory_space<hbm>>) target(%dma_start3A_29 : memref<128x64xf32, #tpu.memory_space<vmem>>) offsets(%dma_start3A_32 : memref<128xi32, #tpu.memory_space<vmem>>) semaphore(%arg10 : memref<!tpu.dma_semaphore, #tpu.memory_space<semaphore_mem>>)
    %dma_start3A_36 = arith.constant 3 : i32
    %dma_start3A_37 = arith.constant 3 : i32
    %dma_start3A_38 = arith.constant 0 : i32
    %dma_start3A_39 = arith.constant 0 : i32
    %dma_start3A_40 = tpu.memref_slice %arg6[%dma_start3A_37, %dma_start3A_38, %dma_start3A_39] : memref<4x128x64xf32, #tpu.memory_space<vmem>> -> memref<1x128x64xf32, #tpu.memory_space<vmem>>
    %dma_start3A_41 = tpu.memref_squeeze %dma_start3A_40 : memref<1x128x64xf32, #tpu.memory_space<vmem>> -> memref<128x64xf32, #tpu.memory_space<vmem>>
    %dma_start3A_42 = arith.constant 0 : i32
    %dma_start3A_43 = tpu.memref_slice %arg5[%dma_start3A_36, %dma_start3A_42] : memref<64x128xi32, #tpu.memory_space<vmem>> -> memref<1x128xi32, #tpu.memory_space<vmem>>
    %dma_start3A_44 = tpu.memref_squeeze %dma_start3A_43 : memref<1x128xi32, #tpu.memory_space<vmem>> -> memref<128xi32, #tpu.memory_space<vmem>>
    %dma_start3A_45 = arith.constant 0 : i32
    %dma_start3A_46 = arith.constant 0 : i32
    %dma_start3A_47 = tpu.memref_slice %arg3[%dma_start3A_45, %dma_start3A_46] : memref<1007616x64xf32, #tpu.memory_space<hbm>> -> memref<1007616x64xf32, #tpu.memory_space<hbm>>
    tpu.enqueue_indirect_dma source(%dma_start3A_47 : memref<1007616x64xf32, #tpu.memory_space<hbm>>) target(%dma_start3A_41 : memref<128x64xf32, #tpu.memory_space<vmem>>) offsets(%dma_start3A_44 : memref<128xi32, #tpu.memory_space<vmem>>) semaphore(%arg11 : memref<!tpu.dma_semaphore, #tpu.memory_space<semaphore_mem>>)
    %broadcast_in_dim3A = arith.constant 0.000000e+00 : f32
    %broadcast_in_dim3A_48 = vector.broadcast %broadcast_in_dim3A : f32 to vector<16xf32>
    %scan3A = arith.constant 0 : i32
    %scan3A_49 = arith.constant 16 : i32
    %scan3A_50 = arith.addi %scan3A, %scan3A_49 : i32
    %scan3A_51 = arith.constant 1 : i32
    %scan3A_52:4 = scf.for %scan3A_69 = %scan3A to %scan3A_50 step %scan3A_51 iter_args(%scan3A_70 = %broadcast_in_dim3A_48, %scan3A_71 = %broadcast_in_dim3A_48, %scan3A_72 = %broadcast_in_dim3A_48, %scan3A_73 = %broadcast_in_dim3A_48) -> (vector<16xf32>, vector<16xf32>, vector<16xf32>, vector<16xf32>)  : i32 {
      %mul3A_74 = arith.constant 4 : i32
      %mul3A_75 = arith.muli %scan3A_69, %mul3A_74 : i32
      %add3A_76 = arith.constant 0 : i32
      %add3A_77 = arith.addi %mul3A_75, %add3A_76 : i32
      %dma_wait3A = arith.constant 0 : i32
      %dma_wait3A_78 = arith.constant 0 : i32
      %dma_wait3A_79 = arith.constant 0 : i32
      %dma_wait3A_80 = tpu.memref_slice %arg6[%dma_wait3A, %dma_wait3A_78, %dma_wait3A_79] : memref<4x128x64xf32, #tpu.memory_space<vmem>> -> memref<1x128x64xf32, #tpu.memory_space<vmem>>
      %dma_wait3A_81 = tpu.memref_squeeze %dma_wait3A_80 : memref<1x128x64xf32, #tpu.memory_space<vmem>> -> memref<128x64xf32, #tpu.memory_space<vmem>>
      %dma_wait3A_82 = arith.constant 0 : i32
      %dma_wait3A_83 = tpu.memref_slice %arg5[%add3A_77, %dma_wait3A_82] : memref<64x128xi32, #tpu.memory_space<vmem>> -> memref<1x128xi32, #tpu.memory_space<vmem>>
      %dma_wait3A_84 = tpu.memref_squeeze %dma_wait3A_83 : memref<1x128xi32, #tpu.memory_space<vmem>> -> memref<128xi32, #tpu.memory_space<vmem>>
      %dma_wait3A_85 = arith.constant 0 : i32
      %dma_wait3A_86 = arith.constant 0 : i32
      %dma_wait3A_87 = tpu.memref_slice %arg3[%dma_wait3A_85, %dma_wait3A_86] : memref<1007616x64xf32, #tpu.memory_space<hbm>> -> memref<1007616x64xf32, #tpu.memory_space<hbm>>
      tpu.wait_indirect_dma semaphore(%arg8 : memref<!tpu.dma_semaphore, #tpu.memory_space<semaphore_mem>>) src(%dma_wait3A_87 : memref<1007616x64xf32, #tpu.memory_space<hbm>>) dst(%dma_wait3A_81 : memref<128x64xf32, #tpu.memory_space<vmem>>)
      %scan3A_88 = arith.constant 0 : i32
      %scan3A_89 = arith.constant 0 : i32
      %scan3A_90 = arith.constant 16 : i32
      %scan3A_91 = arith.addi %scan3A_89, %scan3A_90 : i32
      %scan3A_92 = arith.constant 1 : i32
      %scan3A_93:8 = scf.for %scan3A_202 = %scan3A_89 to %scan3A_91 step %scan3A_92 iter_args(%scan3A_203 = %scan3A_70, %scan3A_204 = %scan3A_71, %scan3A_205 = %scan3A_72, %scan3A_206 = %scan3A_73, %scan3A_207 = %broadcast_in_dim3A_48, %scan3A_208 = %broadcast_in_dim3A_48, %scan3A_209 = %broadcast_in_dim3A_48, %scan3A_210 = %broadcast_in_dim3A_48) -> (vector<16xf32>, vector<16xf32>, vector<16xf32>, vector<16xf32>, vector<16xf32>, vector<16xf32>, vector<16xf32>, vector<16xf32>)  : i32 {
        %mul3A_211 = arith.constant 8 : i32
        %mul3A_212 = arith.muli %scan3A_202, %mul3A_211 : i32
        %add3A_213 = arith.constant 0 : i32
        %add3A_214 = arith.addi %mul3A_212, %add3A_213 : i32
        %get3A = arith.constant 0 : i32
        %get3A_215 = arith.constant 0 : i32
        %get3A_216 = tpu.memref_slice %arg6[%scan3A_88, %get3A, %get3A_215] : memref<4x128x64xf32, #tpu.memory_space<vmem>> -> memref<1x128x64xf32, #tpu.memory_space<vmem>>
        %get3A_217 = tpu.memref_squeeze %get3A_216 : memref<1x128x64xf32, #tpu.memory_space<vmem>> -> memref<128x64xf32, #tpu.memory_space<vmem>>
        %get3A_218 = arith.index_cast %add3A_214 : i32 to index
        %get3A_219 = arith.constant 0 : index
        %get3A_220 = tpu.vector_load %get3A_217[%get3A_218, %get3A_219] {strides = array<i32>} : memref<128x64xf32, #tpu.memory_space<vmem>>, vector<1x16xf32>,
        %get3A_221 = vector.shape_cast %get3A_220 : vector<1x16xf32> to vector<16xf32>
        %add3A_222 = arith.addf %scan3A_203, %get3A_221 : vector<16xf32>
        %add3A_223 = arith.constant 1 : i32
        %add3A_224 = arith.addi %add3A_214, %add3A_223 : i32
        %get3A_225 = arith.constant 0 : i32
        %get3A_226 = arith.constant 0 : i32
        %get3A_227 = tpu.memref_slice %arg6[%scan3A_88, %get3A_225, %get3A_226] : memref<4x128x64xf32, #tpu.memory_space<vmem>> -> memref<1x128x64xf32, #tpu.memory_space<vmem>>
        %get3A_228 = tpu.memref_squeeze %get3A_227 : memref<1x128x64xf32, #tpu.memory_space<vmem>> -> memref<128x64xf32, #tpu.memory_space<vmem>>
        %get3A_229 = arith.index_cast %add3A_224 : i32 to index
        %get3A_230 = arith.constant 0 : index
        %get3A_231 = tpu.vector_load %get3A_228[%get3A_229, %get3A_230] {strides = array<i32>} : memref<128x64xf32, #tpu.memory_space<vmem>>, vector<1x16xf32>,
        %get3A_232 = vector.shape_cast %get3A_231 : vector<1x16xf32> to vector<16xf32>
        %add3A_233 = arith.addf %scan3A_207, %get3A_232 : vector<16xf32>
        %get3A_234 = arith.constant 0 : i32
        %get3A_235 = arith.constant 0 : i32
        %get3A_236 = tpu.memref_slice %arg6[%scan3A_88, %get3A_234, %get3A_235] : memref<4x128x64xf32, #tpu.memory_space<vmem>> -> memref<1x128x64xf32, #tpu.memory_space<vmem>>
        %get3A_237 = tpu.memref_squeeze %get3A_236 : memref<1x128x64xf32, #tpu.memory_space<vmem>> -> memref<128x64xf32, #tpu.memory_space<vmem>>
        %get3A_238 = arith.index_cast %add3A_214 : i32 to index
        %get3A_239 = arith.constant 16 : index
        %get3A_240 = tpu.vector_load %get3A_237[%get3A_238, %get3A_239] {strides = array<i32>} : memref<128x64xf32, #tpu.memory_space<vmem>>, vector<1x16xf32>,
        %get3A_241 = vector.shape_cast %get3A_240 : vector<1x16xf32> to vector<16xf32>
        %add3A_242 = arith.addf %scan3A_204, %get3A_241 : vector<16xf32>
        %add3A_243 = arith.constant 1 : i32
        %add3A_244 = arith.addi %add3A_214, %add3A_243 : i32
        %get3A_245 = arith.constant 0 : i32
        %get3A_246 = arith.constant 0 : i32
        %get3A_247 = tpu.memref_slice %arg6[%scan3A_88, %get3A_245, %get3A_246] : memref<4x128x64xf32, #tpu.memory_space<vmem>> -> memref<1x128x64xf32, #tpu.memory_space<vmem>>
        %get3A_248 = tpu.memref_squeeze %get3A_247 : memref<1x128x64xf32, #tpu.memory_space<vmem>> -> memref<128x64xf32, #tpu.memory_space<vmem>>
        %get3A_249 = arith.index_cast %add3A_244 : i32 to index
        %get3A_250 = arith.constant 16 : index
        %get3A_251 = tpu.vector_load %get3A_248[%get3A_249, %get3A_250] {strides = array<i32>} : memref<128x64xf32, #tpu.memory_space<vmem>>, vector<1x16xf32>,
        %get3A_252 = vector.shape_cast %get3A_251 : vector<1x16xf32> to vector<16xf32>
        %add3A_253 = arith.addf %scan3A_208, %get3A_252 : vector<16xf32>
        %get3A_254 = arith.constant 0 : i32
        %get3A_255 = arith.constant 0 : i32
        %get3A_256 = tpu.memref_slice %arg6[%scan3A_88, %get3A_254, %get3A_255] : memref<4x128x64xf32, #tpu.memory_space<vmem>> -> memref<1x128x64xf32, #tpu.memory_space<vmem>>
        %get3A_257 = tpu.memref_squeeze %get3A_256 : memref<1x128x64xf32, #tpu.memory_space<vmem>> -> memref<128x64xf32, #tpu.memory_space<vmem>>
        %get3A_258 = arith.index_cast %add3A_214 : i32 to index
        %get3A_259 = arith.constant 32 : index
        %get3A_260 = tpu.vector_load %get3A_257[%get3A_258, %get3A_259] {strides = array<i32>} : memref<128x64xf32, #tpu.memory_space<vmem>>, vector<1x16xf32>,
        %get3A_261 = vector.shape_cast %get3A_260 : vector<1x16xf32> to vector<16xf32>
        %add3A_262 = arith.addf %scan3A_205, %get3A_261 : vector<16xf32>
        %add3A_263 = arith.constant 1 : i32
        %add3A_264 = arith.addi %add3A_214, %add3A_263 : i32
        %get3A_265 = arith.constant 0 : i32
        %get3A_266 = arith.constant 0 : i32
        %get3A_267 = tpu.memref_slice %arg6[%scan3A_88, %get3A_265, %get3A_266] : memref<4x128x64xf32, #tpu.memory_space<vmem>> -> memref<1x128x64xf32, #tpu.memory_space<vmem>>
        %get3A_268 = tpu.memref_squeeze %get3A_267 : memref<1x128x64xf32, #tpu.memory_space<vmem>> -> memref<128x64xf32, #tpu.memory_space<vmem>>
        %get3A_269 = arith.index_cast %add3A_264 : i32 to index
        %get3A_270 = arith.constant 32 : index
        %get3A_271 = tpu.vector_load %get3A_268[%get3A_269, %get3A_270] {strides = array<i32>} : memref<128x64xf32, #tpu.memory_space<vmem>>, vector<1x16xf32>,
        %get3A_272 = vector.shape_cast %get3A_271 : vector<1x16xf32> to vector<16xf32>
        %add3A_273 = arith.addf %scan3A_209, %get3A_272 : vector<16xf32>
        %get3A_274 = arith.constant 0 : i32
        %get3A_275 = arith.constant 0 : i32
        %get3A_276 = tpu.memref_slice %arg6[%scan3A_88, %get3A_274, %get3A_275] : memref<4x128x64xf32, #tpu.memory_space<vmem>> -> memref<1x128x64xf32, #tpu.memory_space<vmem>>
        %get3A_277 = tpu.memref_squeeze %get3A_276 : memref<1x128x64xf32, #tpu.memory_space<vmem>> -> memref<128x64xf32, #tpu.memory_space<vmem>>
        %get3A_278 = arith.index_cast %add3A_214 : i32 to index
        %get3A_279 = arith.constant 48 : index
        %get3A_280 = tpu.vector_load %get3A_277[%get3A_278, %get3A_279] {strides = array<i32>} : memref<128x64xf32, #tpu.memory_space<vmem>>, vector<1x16xf32>,
        %get3A_281 = vector.shape_cast %get3A_280 : vector<1x16xf32> to vector<16xf32>
        %add3A_282 = arith.addf %scan3A_206, %get3A_281 : vector<16xf32>
        %add3A_283 = arith.constant 1 : i32
        %add3A_284 = arith.addi %add3A_214, %add3A_283 : i32
        %get3A_285 = arith.constant 0 : i32
        %get3A_286 = arith.constant 0 : i32
        %get3A_287 = tpu.memref_slice %arg6[%scan3A_88, %get3A_285, %get3A_286] : memref<4x128x64xf32, #tpu.memory_space<vmem>> -> memref<1x128x64xf32, #tpu.memory_space<vmem>>
        %get3A_288 = tpu.memref_squeeze %get3A_287 : memref<1x128x64xf32, #tpu.memory_space<vmem>> -> memref<128x64xf32, #tpu.memory_space<vmem>>
        %get3A_289 = arith.index_cast %add3A_284 : i32 to index
        %get3A_290 = arith.constant 48 : index
        %get3A_291 = tpu.vector_load %get3A_288[%get3A_289, %get3A_290] {strides = array<i32>} : memref<128x64xf32, #tpu.memory_space<vmem>>, vector<1x16xf32>,
        %get3A_292 = vector.shape_cast %get3A_291 : vector<1x16xf32> to vector<16xf32>
        %add3A_293 = arith.addf %scan3A_210, %get3A_292 : vector<16xf32>
        %mul3A_294 = arith.constant 8 : i32
        %mul3A_295 = arith.muli %scan3A_202, %mul3A_294 : i32
        %add3A_296 = arith.constant 2 : i32
        %add3A_297 = arith.addi %mul3A_295, %add3A_296 : i32
        %get3A_298 = arith.constant 0 : i32
        %get3A_299 = arith.constant 0 : i32
        %get3A_300 = tpu.memref_slice %arg6[%scan3A_88, %get3A_298, %get3A_299] : memref<4x128x64xf32, #tpu.memory_space<vmem>> -> memref<1x128x64xf32, #tpu.memory_space<vmem>>
        %get3A_301 = tpu.memref_squeeze %get3A_300 : memref<1x128x64xf32, #tpu.memory_space<vmem>> -> memref<128x64xf32, #tpu.memory_space<vmem>>
        %get3A_302 = arith.index_cast %add3A_297 : i32 to index
        %get3A_303 = arith.constant 0 : index
        %get3A_304 = tpu.vector_load %get3A_301[%get3A_302, %get3A_303] {strides = array<i32>} : memref<128x64xf32, #tpu.memory_space<vmem>>, vector<1x16xf32>,
        %get3A_305 = vector.shape_cast %get3A_304 : vector<1x16xf32> to vector<16xf32>
        %add3A_306 = arith.addf %add3A_222, %get3A_305 : vector<16xf32>
        %add3A_307 = arith.constant 1 : i32
        %add3A_308 = arith.addi %add3A_297, %add3A_307 : i32
        %get3A_309 = arith.constant 0 : i32
        %get3A_310 = arith.constant 0 : i32
        %get3A_311 = tpu.memref_slice %arg6[%scan3A_88, %get3A_309, %get3A_310] : memref<4x128x64xf32, #tpu.memory_space<vmem>> -> memref<1x128x64xf32, #tpu.memory_space<vmem>>
        %get3A_312 = tpu.memref_squeeze %get3A_311 : memref<1x128x64xf32, #tpu.memory_space<vmem>> -> memref<128x64xf32, #tpu.memory_space<vmem>>
        %get3A_313 = arith.index_cast %add3A_308 : i32 to index
        %get3A_314 = arith.constant 0 : index
        %get3A_315 = tpu.vector_load %get3A_312[%get3A_313, %get3A_314] {strides = array<i32>} : memref<128x64xf32, #tpu.memory_space<vmem>>, vector<1x16xf32>,
        %get3A_316 = vector.shape_cast %get3A_315 : vector<1x16xf32> to vector<16xf32>
        %add3A_317 = arith.addf %add3A_233, %get3A_316 : vector<16xf32>
        %get3A_318 = arith.constant 0 : i32
        %get3A_319 = arith.constant 0 : i32
        %get3A_320 = tpu.memref_slice %arg6[%scan3A_88, %get3A_318, %get3A_319] : memref<4x128x64xf32, #tpu.memory_space<vmem>> -> memref<1x128x64xf32, #tpu.memory_space<vmem>>
        %get3A_321 = tpu.memref_squeeze %get3A_320 : memref<1x128x64xf32, #tpu.memory_space<vmem>> -> memref<128x64xf32, #tpu.memory_space<vmem>>
        %get3A_322 = arith.index_cast %add3A_297 : i32 to index
        %get3A_323 = arith.constant 16 : index
        %get3A_324 = tpu.vector_load %get3A_321[%get3A_322, %get3A_323] {strides = array<i32>} : memref<128x64xf32, #tpu.memory_space<vmem>>, vector<1x16xf32>,
        %get3A_325 = vector.shape_cast %get3A_324 : vector<1x16xf32> to vector<16xf32>
        %add3A_326 = arith.addf %add3A_242, %get3A_325 : vector<16xf32>
        %add3A_327 = arith.constant 1 : i32
        %add3A_328 = arith.addi %add3A_297, %add3A_327 : i32
        %get3A_329 = arith.constant 0 : i32
        %get3A_330 = arith.constant 0 : i32
        %get3A_331 = tpu.memref_slice %arg6[%scan3A_88, %get3A_329, %get3A_330] : memref<4x128x64xf32, #tpu.memory_space<vmem>> -> memref<1x128x64xf32, #tpu.memory_space<vmem>>
        %get3A_332 = tpu.memref_squeeze %get3A_331 : memref<1x128x64xf32, #tpu.memory_space<vmem>> -> memref<128x64xf32, #tpu.memory_space<vmem>>
        %get3A_333 = arith.index_cast %add3A_328 : i32 to index
        %get3A_334 = arith.constant 16 : index
        %get3A_335 = tpu.vector_load %get3A_332[%get3A_333, %get3A_334] {strides = array<i32>} : memref<128x64xf32, #tpu.memory_space<vmem>>, vector<1x16xf32>,
        %get3A_336 = vector.shape_cast %get3A_335 : vector<1x16xf32> to vector<16xf32>
        %add3A_337 = arith.addf %add3A_253, %get3A_336 : vector<16xf32>
        %get3A_338 = arith.constant 0 : i32
        %get3A_339 = arith.constant 0 : i32
        %get3A_340 = tpu.memref_slice %arg6[%scan3A_88, %get3A_338, %get3A_339] : memref<4x128x64xf32, #tpu.memory_space<vmem>> -> memref<1x128x64xf32, #tpu.memory_space<vmem>>
        %get3A_341 = tpu.memref_squeeze %get3A_340 : memref<1x128x64xf32, #tpu.memory_space<vmem>> -> memref<128x64xf32, #tpu.memory_space<vmem>>
        %get3A_342 = arith.index_cast %add3A_297 : i32 to index
        %get3A_343 = arith.constant 32 : index
        %get3A_344 = tpu.vector_load %get3A_341[%get3A_342, %get3A_343] {strides = array<i32>} : memref<128x64xf32, #tpu.memory_space<vmem>>, vector<1x16xf32>,
        %get3A_345 = vector.shape_cast %get3A_344 : vector<1x16xf32> to vector<16xf32>
        %add3A_346 = arith.addf %add3A_262, %get3A_345 : vector<16xf32>
        %add3A_347 = arith.constant 1 : i32
        %add3A_348 = arith.addi %add3A_297, %add3A_347 : i32
        %get3A_349 = arith.constant 0 : i32
        %get3A_350 = arith.constant 0 : i32
        %get3A_351 = tpu.memref_slice %arg6[%scan3A_88, %get3A_349, %get3A_350] : memref<4x128x64xf32, #tpu.memory_space<vmem>> -> memref<1x128x64xf32, #tpu.memory_space<vmem>>
        %get3A_352 = tpu.memref_squeeze %get3A_351 : memref<1x128x64xf32, #tpu.memory_space<vmem>> -> memref<128x64xf32, #tpu.memory_space<vmem>>
        %get3A_353 = arith.index_cast %add3A_348 : i32 to index
        %get3A_354 = arith.constant 32 : index
        %get3A_355 = tpu.vector_load %get3A_352[%get3A_353, %get3A_354] {strides = array<i32>} : memref<128x64xf32, #tpu.memory_space<vmem>>, vector<1x16xf32>,
        %get3A_356 = vector.shape_cast %get3A_355 : vector<1x16xf32> to vector<16xf32>
        %add3A_357 = arith.addf %add3A_273, %get3A_356 : vector<16xf32>
        %get3A_358 = arith.constant 0 : i32
        %get3A_359 = arith.constant 0 : i32
        %get3A_360 = tpu.memref_slice %arg6[%scan3A_88, %get3A_358, %get3A_359] : memref<4x128x64xf32, #tpu.memory_space<vmem>> -> memref<1x128x64xf32, #tpu.memory_space<vmem>>
        %get3A_361 = tpu.memref_squeeze %get3A_360 : memref<1x128x64xf32, #tpu.memory_space<vmem>> -> memref<128x64xf32, #tpu.memory_space<vmem>>
        %get3A_362 = arith.index_cast %add3A_297 : i32 to index
        %get3A_363 = arith.constant 48 : index
        %get3A_364 = tpu.vector_load %get3A_361[%get3A_362, %get3A_363] {strides = array<i32>} : memref<128x64xf32, #tpu.memory_space<vmem>>, vector<1x16xf32>,
        %get3A_365 = vector.shape_cast %get3A_364 : vector<1x16xf32> to vector<16xf32>
        %add3A_366 = arith.addf %add3A_282, %get3A_365 : vector<16xf32>
        %add3A_367 = arith.constant 1 : i32
        %add3A_368 = arith.addi %add3A_297, %add3A_367 : i32
        %get3A_369 = arith.constant 0 : i32
        %get3A_370 = arith.constant 0 : i32
        %get3A_371 = tpu.memref_slice %arg6[%scan3A_88, %get3A_369, %get3A_370] : memref<4x128x64xf32, #tpu.memory_space<vmem>> -> memref<1x128x64xf32, #tpu.memory_space<vmem>>
        %get3A_372 = tpu.memref_squeeze %get3A_371 : memref<1x128x64xf32, #tpu.memory_space<vmem>> -> memref<128x64xf32, #tpu.memory_space<vmem>>
        %get3A_373 = arith.index_cast %add3A_368 : i32 to index
        %get3A_374 = arith.constant 48 : index
        %get3A_375 = tpu.vector_load %get3A_372[%get3A_373, %get3A_374] {strides = array<i32>} : memref<128x64xf32, #tpu.memory_space<vmem>>, vector<1x16xf32>,
        %get3A_376 = vector.shape_cast %get3A_375 : vector<1x16xf32> to vector<16xf32>
        %add3A_377 = arith.addf %add3A_293, %get3A_376 : vector<16xf32>
        %mul3A_378 = arith.constant 8 : i32
        %mul3A_379 = arith.muli %scan3A_202, %mul3A_378 : i32
        %add3A_380 = arith.constant 4 : i32
        %add3A_381 = arith.addi %mul3A_379, %add3A_380 : i32
        %get3A_382 = arith.constant 0 : i32
        %get3A_383 = arith.constant 0 : i32
        %get3A_384 = tpu.memref_slice %arg6[%scan3A_88, %get3A_382, %get3A_383] : memref<4x128x64xf32, #tpu.memory_space<vmem>> -> memref<1x128x64xf32, #tpu.memory_space<vmem>>
        %get3A_385 = tpu.memref_squeeze %get3A_384 : memref<1x128x64xf32, #tpu.memory_space<vmem>> -> memref<128x64xf32, #tpu.memory_space<vmem>>
        %get3A_386 = arith.index_cast %add3A_381 : i32 to index
        %get3A_387 = arith.constant 0 : index
        %get3A_388 = tpu.vector_load %get3A_385[%get3A_386, %get3A_387] {strides = array<i32>} : memref<128x64xf32, #tpu.memory_space<vmem>>, vector<1x16xf32>,
        %get3A_389 = vector.shape_cast %get3A_388 : vector<1x16xf32> to vector<16xf32>
        %add3A_390 = arith.addf %add3A_306, %get3A_389 : vector<16xf32>
        %add3A_391 = arith.constant 1 : i32
        %add3A_392 = arith.addi %add3A_381, %add3A_391 : i32
        %get3A_393 = arith.constant 0 : i32
        %get3A_394 = arith.constant 0 : i32
        %get3A_395 = tpu.memref_slice %arg6[%scan3A_88, %get3A_393, %get3A_394] : memref<4x128x64xf32, #tpu.memory_space<vmem>> -> memref<1x128x64xf32, #tpu.memory_space<vmem>>
        %get3A_396 = tpu.memref_squeeze %get3A_395 : memref<1x128x64xf32, #tpu.memory_space<vmem>> -> memref<128x64xf32, #tpu.memory_space<vmem>>
        %get3A_397 = arith.index_cast %add3A_392 : i32 to index
        %get3A_398 = arith.constant 0 : index
        %get3A_399 = tpu.vector_load %get3A_396[%get3A_397, %get3A_398] {strides = array<i32>} : memref<128x64xf32, #tpu.memory_space<vmem>>, vector<1x16xf32>,
        %get3A_400 = vector.shape_cast %get3A_399 : vector<1x16xf32> to vector<16xf32>
        %add3A_401 = arith.addf %add3A_317, %get3A_400 : vector<16xf32>
        %get3A_402 = arith.constant 0 : i32
        %get3A_403 = arith.constant 0 : i32
        %get3A_404 = tpu.memref_slice %arg6[%scan3A_88, %get3A_402, %get3A_403] : memref<4x128x64xf32, #tpu.memory_space<vmem>> -> memref<1x128x64xf32, #tpu.memory_space<vmem>>
        %get3A_405 = tpu.memref_squeeze %get3A_404 : memref<1x128x64xf32, #tpu.memory_space<vmem>> -> memref<128x64xf32, #tpu.memory_space<vmem>>
        %get3A_406 = arith.index_cast %add3A_381 : i32 to index
        %get3A_407 = arith.constant 16 : index
        %get3A_408 = tpu.vector_load %get3A_405[%get3A_406, %get3A_407] {strides = array<i32>} : memref<128x64xf32, #tpu.memory_space<vmem>>, vector<1x16xf32>,
        %get3A_409 = vector.shape_cast %get3A_408 : vector<1x16xf32> to vector<16xf32>
        %add3A_410 = arith.addf %add3A_326, %get3A_409 : vector<16xf32>
        %add3A_411 = arith.constant 1 : i32
        %add3A_412 = arith.addi %add3A_381, %add3A_411 : i32
        %get3A_413 = arith.constant 0 : i32
        %get3A_414 = arith.constant 0 : i32
        %get3A_415 = tpu.memref_slice %arg6[%scan3A_88, %get3A_413, %get3A_414] : memref<4x128x64xf32, #tpu.memory_space<vmem>> -> memref<1x128x64xf32, #tpu.memory_space<vmem>>
        %get3A_416 = tpu.memref_squeeze %get3A_415 : memref<1x128x64xf32, #tpu.memory_space<vmem>> -> memref<128x64xf32, #tpu.memory_space<vmem>>
        %get3A_417 = arith.index_cast %add3A_412 : i32 to index
        %get3A_418 = arith.constant 16 : index
        %get3A_419 = tpu.vector_load %get3A_416[%get3A_417, %get3A_418] {strides = array<i32>} : memref<128x64xf32, #tpu.memory_space<vmem>>, vector<1x16xf32>,
        %get3A_420 = vector.shape_cast %get3A_419 : vector<1x16xf32> to vector<16xf32>
        %add3A_421 = arith.addf %add3A_337, %get3A_420 : vector<16xf32>
        %get3A_422 = arith.constant 0 : i32
        %get3A_423 = arith.constant 0 : i32
        %get3A_424 = tpu.memref_slice %arg6[%scan3A_88, %get3A_422, %get3A_423] : memref<4x128x64xf32, #tpu.memory_space<vmem>> -> memref<1x128x64xf32, #tpu.memory_space<vmem>>
        %get3A_425 = tpu.memref_squeeze %get3A_424 : memref<1x128x64xf32, #tpu.memory_space<vmem>> -> memref<128x64xf32, #tpu.memory_space<vmem>>
        %get3A_426 = arith.index_cast %add3A_381 : i32 to index
        %get3A_427 = arith.constant 32 : index
        %get3A_428 = tpu.vector_load %get3A_425[%get3A_426, %get3A_427] {strides = array<i32>} : memref<128x64xf32, #tpu.memory_space<vmem>>, vector<1x16xf32>,
        %get3A_429 = vector.shape_cast %get3A_428 : vector<1x16xf32> to vector<16xf32>
        %add3A_430 = arith.addf %add3A_346, %get3A_429 : vector<16xf32>
        %add3A_431 = arith.constant 1 : i32
        %add3A_432 = arith.addi %add3A_381, %add3A_431 : i32
        %get3A_433 = arith.constant 0 : i32
        %get3A_434 = arith.constant 0 : i32
        %get3A_435 = tpu.memref_slice %arg6[%scan3A_88, %get3A_433, %get3A_434] : memref<4x128x64xf32, #tpu.memory_space<vmem>> -> memref<1x128x64xf32, #tpu.memory_space<vmem>>
        %get3A_436 = tpu.memref_squeeze %get3A_435 : memref<1x128x64xf32, #tpu.memory_space<vmem>> -> memref<128x64xf32, #tpu.memory_space<vmem>>
        %get3A_437 = arith.index_cast %add3A_432 : i32 to index
        %get3A_438 = arith.constant 32 : index
        %get3A_439 = tpu.vector_load %get3A_436[%get3A_437, %get3A_438] {strides = array<i32>} : memref<128x64xf32, #tpu.memory_space<vmem>>, vector<1x16xf32>,
        %get3A_440 = vector.shape_cast %get3A_439 : vector<1x16xf32> to vector<16xf32>
        %add3A_441 = arith.addf %add3A_357, %get3A_440 : vector<16xf32>
        %get3A_442 = arith.constant 0 : i32
        %get3A_443 = arith.constant 0 : i32
        %get3A_444 = tpu.memref_slice %arg6[%scan3A_88, %get3A_442, %get3A_443] : memref<4x128x64xf32, #tpu.memory_space<vmem>> -> memref<1x128x64xf32, #tpu.memory_space<vmem>>
        %get3A_445 = tpu.memref_squeeze %get3A_444 : memref<1x128x64xf32, #tpu.memory_space<vmem>> -> memref<128x64xf32, #tpu.memory_space<vmem>>
        %get3A_446 = arith.index_cast %add3A_381 : i32 to index
        %get3A_447 = arith.constant 48 : index
        %get3A_448 = tpu.vector_load %get3A_445[%get3A_446, %get3A_447] {strides = array<i32>} : memref<128x64xf32, #tpu.memory_space<vmem>>, vector<1x16xf32>,
        %get3A_449 = vector.shape_cast %get3A_448 : vector<1x16xf32> to vector<16xf32>
        %add3A_450 = arith.addf %add3A_366, %get3A_449 : vector<16xf32>
        %add3A_451 = arith.constant 1 : i32
        %add3A_452 = arith.addi %add3A_381, %add3A_451 : i32
        %get3A_453 = arith.constant 0 : i32
        %get3A_454 = arith.constant 0 : i32
        %get3A_455 = tpu.memref_slice %arg6[%scan3A_88, %get3A_453, %get3A_454] : memref<4x128x64xf32, #tpu.memory_space<vmem>> -> memref<1x128x64xf32, #tpu.memory_space<vmem>>
        %get3A_456 = tpu.memref_squeeze %get3A_455 : memref<1x128x64xf32, #tpu.memory_space<vmem>> -> memref<128x64xf32, #tpu.memory_space<vmem>>
        %get3A_457 = arith.index_cast %add3A_452 : i32 to index
        %get3A_458 = arith.constant 48 : index
        %get3A_459 = tpu.vector_load %get3A_456[%get3A_457, %get3A_458] {strides = array<i32>} : memref<128x64xf32, #tpu.memory_space<vmem>>, vector<1x16xf32>,
        %get3A_460 = vector.shape_cast %get3A_459 : vector<1x16xf32> to vector<16xf32>
        %add3A_461 = arith.addf %add3A_377, %get3A_460 : vector<16xf32>
        %mul3A_462 = arith.constant 8 : i32
        %mul3A_463 = arith.muli %scan3A_202, %mul3A_462 : i32
        %add3A_464 = arith.constant 6 : i32
        %add3A_465 = arith.addi %mul3A_463, %add3A_464 : i32
        %get3A_466 = arith.constant 0 : i32
        %get3A_467 = arith.constant 0 : i32
        %get3A_468 = tpu.memref_slice %arg6[%scan3A_88, %get3A_466, %get3A_467] : memref<4x128x64xf32, #tpu.memory_space<vmem>> -> memref<1x128x64xf32, #tpu.memory_space<vmem>>
        %get3A_469 = tpu.memref_squeeze %get3A_468 : memref<1x128x64xf32, #tpu.memory_space<vmem>> -> memref<128x64xf32, #tpu.memory_space<vmem>>
        %get3A_470 = arith.index_cast %add3A_465 : i32 to index
        %get3A_471 = arith.constant 0 : index
        %get3A_472 = tpu.vector_load %get3A_469[%get3A_470, %get3A_471] {strides = array<i32>} : memref<128x64xf32, #tpu.memory_space<vmem>>, vector<1x16xf32>,
        %get3A_473 = vector.shape_cast %get3A_472 : vector<1x16xf32> to vector<16xf32>
        %add3A_474 = arith.addf %add3A_390, %get3A_473 : vector<16xf32>
        %add3A_475 = arith.constant 1 : i32
        %add3A_476 = arith.addi %add3A_465, %add3A_475 : i32
        %get3A_477 = arith.constant 0 : i32
        %get3A_478 = arith.constant 0 : i32
        %get3A_479 = tpu.memref_slice %arg6[%scan3A_88, %get3A_477, %get3A_478] : memref<4x128x64xf32, #tpu.memory_space<vmem>> -> memref<1x128x64xf32, #tpu.memory_space<vmem>>
        %get3A_480 = tpu.memref_squeeze %get3A_479 : memref<1x128x64xf32, #tpu.memory_space<vmem>> -> memref<128x64xf32, #tpu.memory_space<vmem>>
        %get3A_481 = arith.index_cast %add3A_476 : i32 to index
        %get3A_482 = arith.constant 0 : index
        %get3A_483 = tpu.vector_load %get3A_480[%get3A_481, %get3A_482] {strides = array<i32>} : memref<128x64xf32, #tpu.memory_space<vmem>>, vector<1x16xf32>,
        %get3A_484 = vector.shape_cast %get3A_483 : vector<1x16xf32> to vector<16xf32>
        %add3A_485 = arith.addf %add3A_401, %get3A_484 : vector<16xf32>
        %get3A_486 = arith.constant 0 : i32
        %get3A_487 = arith.constant 0 : i32
        %get3A_488 = tpu.memref_slice %arg6[%scan3A_88, %get3A_486, %get3A_487] : memref<4x128x64xf32, #tpu.memory_space<vmem>> -> memref<1x128x64xf32, #tpu.memory_space<vmem>>
        %get3A_489 = tpu.memref_squeeze %get3A_488 : memref<1x128x64xf32, #tpu.memory_space<vmem>> -> memref<128x64xf32, #tpu.memory_space<vmem>>
        %get3A_490 = arith.index_cast %add3A_465 : i32 to index
        %get3A_491 = arith.constant 16 : index
        %get3A_492 = tpu.vector_load %get3A_489[%get3A_490, %get3A_491] {strides = array<i32>} : memref<128x64xf32, #tpu.memory_space<vmem>>, vector<1x16xf32>,
        %get3A_493 = vector.shape_cast %get3A_492 : vector<1x16xf32> to vector<16xf32>
        %add3A_494 = arith.addf %add3A_410, %get3A_493 : vector<16xf32>
        %add3A_495 = arith.constant 1 : i32
        %add3A_496 = arith.addi %add3A_465, %add3A_495 : i32
        %get3A_497 = arith.constant 0 : i32
        %get3A_498 = arith.constant 0 : i32
        %get3A_499 = tpu.memref_slice %arg6[%scan3A_88, %get3A_497, %get3A_498] : memref<4x128x64xf32, #tpu.memory_space<vmem>> -> memref<1x128x64xf32, #tpu.memory_space<vmem>>
        %get3A_500 = tpu.memref_squeeze %get3A_499 : memref<1x128x64xf32, #tpu.memory_space<vmem>> -> memref<128x64xf32, #tpu.memory_space<vmem>>
        %get3A_501 = arith.index_cast %add3A_496 : i32 to index
        %get3A_502 = arith.constant 16 : index
        %get3A_503 = tpu.vector_load %get3A_500[%get3A_501, %get3A_502] {strides = array<i32>} : memref<128x64xf32, #tpu.memory_space<vmem>>, vector<1x16xf32>,
        %get3A_504 = vector.shape_cast %get3A_503 : vector<1x16xf32> to vector<16xf32>
        %add3A_505 = arith.addf %add3A_421, %get3A_504 : vector<16xf32>
        %get3A_506 = arith.constant 0 : i32
        %get3A_507 = arith.constant 0 : i32
        %get3A_508 = tpu.memref_slice %arg6[%scan3A_88, %get3A_506, %get3A_507] : memref<4x128x64xf32, #tpu.memory_space<vmem>> -> memref<1x128x64xf32, #tpu.memory_space<vmem>>
        %get3A_509 = tpu.memref_squeeze %get3A_508 : memref<1x128x64xf32, #tpu.memory_space<vmem>> -> memref<128x64xf32, #tpu.memory_space<vmem>>
        %get3A_510 = arith.index_cast %add3A_465 : i32 to index
        %get3A_511 = arith.constant 32 : index
        %get3A_512 = tpu.vector_load %get3A_509[%get3A_510, %get3A_511] {strides = array<i32>} : memref<128x64xf32, #tpu.memory_space<vmem>>, vector<1x16xf32>,
        %get3A_513 = vector.shape_cast %get3A_512 : vector<1x16xf32> to vector<16xf32>
        %add3A_514 = arith.addf %add3A_430, %get3A_513 : vector<16xf32>
        %add3A_515 = arith.constant 1 : i32
        %add3A_516 = arith.addi %add3A_465, %add3A_515 : i32
        %get3A_517 = arith.constant 0 : i32
        %get3A_518 = arith.constant 0 : i32
        %get3A_519 = tpu.memref_slice %arg6[%scan3A_88, %get3A_517, %get3A_518] : memref<4x128x64xf32, #tpu.memory_space<vmem>> -> memref<1x128x64xf32, #tpu.memory_space<vmem>>
        %get3A_520 = tpu.memref_squeeze %get3A_519 : memref<1x128x64xf32, #tpu.memory_space<vmem>> -> memref<128x64xf32, #tpu.memory_space<vmem>>
        %get3A_521 = arith.index_cast %add3A_516 : i32 to index
        %get3A_522 = arith.constant 32 : index
        %get3A_523 = tpu.vector_load %get3A_520[%get3A_521, %get3A_522] {strides = array<i32>} : memref<128x64xf32, #tpu.memory_space<vmem>>, vector<1x16xf32>,
        %get3A_524 = vector.shape_cast %get3A_523 : vector<1x16xf32> to vector<16xf32>
        %add3A_525 = arith.addf %add3A_441, %get3A_524 : vector<16xf32>
        %get3A_526 = arith.constant 0 : i32
        %get3A_527 = arith.constant 0 : i32
        %get3A_528 = tpu.memref_slice %arg6[%scan3A_88, %get3A_526, %get3A_527] : memref<4x128x64xf32, #tpu.memory_space<vmem>> -> memref<1x128x64xf32, #tpu.memory_space<vmem>>
        %get3A_529 = tpu.memref_squeeze %get3A_528 : memref<1x128x64xf32, #tpu.memory_space<vmem>> -> memref<128x64xf32, #tpu.memory_space<vmem>>
        %get3A_530 = arith.index_cast %add3A_465 : i32 to index
        %get3A_531 = arith.constant 48 : index
        %get3A_532 = tpu.vector_load %get3A_529[%get3A_530, %get3A_531] {strides = array<i32>} : memref<128x64xf32, #tpu.memory_space<vmem>>, vector<1x16xf32>,
        %get3A_533 = vector.shape_cast %get3A_532 : vector<1x16xf32> to vector<16xf32>
        %add3A_534 = arith.addf %add3A_450, %get3A_533 : vector<16xf32>
        %add3A_535 = arith.constant 1 : i32
        %add3A_536 = arith.addi %add3A_465, %add3A_535 : i32
        %get3A_537 = arith.constant 0 : i32
        %get3A_538 = arith.constant 0 : i32
        %get3A_539 = tpu.memref_slice %arg6[%scan3A_88, %get3A_537, %get3A_538] : memref<4x128x64xf32, #tpu.memory_space<vmem>> -> memref<1x128x64xf32, #tpu.memory_space<vmem>>
        %get3A_540 = tpu.memref_squeeze %get3A_539 : memref<1x128x64xf32, #tpu.memory_space<vmem>> -> memref<128x64xf32, #tpu.memory_space<vmem>>
        %get3A_541 = arith.index_cast %add3A_536 : i32 to index
        %get3A_542 = arith.constant 48 : index
        %get3A_543 = tpu.vector_load %get3A_540[%get3A_541, %get3A_542] {strides = array<i32>} : memref<128x64xf32, #tpu.memory_space<vmem>>, vector<1x16xf32>,
        %get3A_544 = vector.shape_cast %get3A_543 : vector<1x16xf32> to vector<16xf32>
        %add3A_545 = arith.addf %add3A_461, %get3A_544 : vector<16xf32>
        scf.yield %add3A_474, %add3A_494, %add3A_514, %add3A_534, %add3A_485, %add3A_505, %add3A_525, %add3A_545 : vector<16xf32>, vector<16xf32>, vector<16xf32>, vector<16xf32>, vector<16xf32>, vector<16xf32>, vector<16xf32>, vector<16xf32>
      }
      %scan3A_94 = arith.constant 16 : i32
      %add3A_95 = arith.addf %scan3A_93#0, %scan3A_93#4 : vector<16xf32>
      %add3A_96 = arith.addf %scan3A_93#1, %scan3A_93#5 : vector<16xf32>
      %add3A_97 = arith.addf %scan3A_93#2, %scan3A_93#6 : vector<16xf32>
      %add3A_98 = arith.addf %scan3A_93#3, %scan3A_93#7 : vector<16xf32>
      %add3A_99 = arith.constant 4 : i32
      %add3A_100 = arith.addi %add3A_77, %add3A_99 : i32
      %lt3A = arith.constant 64 : i32
      %lt3A_101 = arith.cmpi slt, %add3A_100, %lt3A : i32
      %convert_element_type3A = arith.extui %lt3A_101 : i1 to i32
      %cond3A = arith.constant 0 : i32
      %cond3A_102 = arith.cmpi ne, %convert_element_type3A, %cond3A : i32
      scf.if %cond3A_102 {
        %add3A_202 = arith.constant 4 : i32
        %add3A_203 = arith.addi %add3A_77, %add3A_202 : i32
        %dma_start3A_204 = arith.constant 0 : i32
        %dma_start3A_205 = arith.constant 0 : i32
        %dma_start3A_206 = arith.constant 0 : i32
        %dma_start3A_207 = tpu.memref_slice %arg6[%dma_start3A_204, %dma_start3A_205, %dma_start3A_206] : memref<4x128x64xf32, #tpu.memory_space<vmem>> -> memref<1x128x64xf32, #tpu.memory_space<vmem>>
        %dma_start3A_208 = tpu.memref_squeeze %dma_start3A_207 : memref<1x128x64xf32, #tpu.memory_space<vmem>> -> memref<128x64xf32, #tpu.memory_space<vmem>>
        %dma_start3A_209 = arith.constant 0 : i32
        %dma_start3A_210 = tpu.memref_slice %arg5[%add3A_203, %dma_start3A_209] : memref<64x128xi32, #tpu.memory_space<vmem>> -> memref<1x128xi32, #tpu.memory_space<vmem>>
        %dma_start3A_211 = tpu.memref_squeeze %dma_start3A_210 : memref<1x128xi32, #tpu.memory_space<vmem>> -> memref<128xi32, #tpu.memory_space<vmem>>
        %dma_start3A_212 = arith.constant 0 : i32
        %dma_start3A_213 = arith.constant 0 : i32
        %dma_start3A_214 = tpu.memref_slice %arg3[%dma_start3A_212, %dma_start3A_213] : memref<1007616x64xf32, #tpu.memory_space<hbm>> -> memref<1007616x64xf32, #tpu.memory_space<hbm>>
        tpu.enqueue_indirect_dma source(%dma_start3A_214 : memref<1007616x64xf32, #tpu.memory_space<hbm>>) target(%dma_start3A_208 : memref<128x64xf32, #tpu.memory_space<vmem>>) offsets(%dma_start3A_211 : memref<128xi32, #tpu.memory_space<vmem>>) semaphore(%arg8 : memref<!tpu.dma_semaphore, #tpu.memory_space<semaphore_mem>>)
      } else {
      }
      %mul3A_103 = arith.constant 4 : i32
      %mul3A_104 = arith.muli %scan3A_69, %mul3A_103 : i32
      %add3A_105 = arith.constant 1 : i32
      %add3A_106 = arith.addi %mul3A_104, %add3A_105 : i32
      %dma_wait3A_107 = arith.constant 1 : i32
      %dma_wait3A_108 = arith.constant 0 : i32
      %dma_wait3A_109 = arith.constant 0 : i32
      %dma_wait3A_110 = tpu.memref_slice %arg6[%dma_wait3A_107, %dma_wait3A_108, %dma_wait3A_109] : memref<4x128x64xf32, #tpu.memory_space<vmem>> -> memref<1x128x64xf32, #tpu.memory_space<vmem>>
      %dma_wait3A_111 = tpu.memref_squeeze %dma_wait3A_110 : memref<1x128x64xf32, #tpu.memory_space<vmem>> -> memref<128x64xf32, #tpu.memory_space<vmem>>
      %dma_wait3A_112 = arith.constant 0 : i32
      %dma_wait3A_113 = tpu.memref_slice %arg5[%add3A_106, %dma_wait3A_112] : memref<64x128xi32, #tpu.memory_space<vmem>> -> memref<1x128xi32, #tpu.memory_space<vmem>>
      %dma_wait3A_114 = tpu.memref_squeeze %dma_wait3A_113 : memref<1x128xi32, #tpu.memory_space<vmem>> -> memref<128xi32, #tpu.memory_space<vmem>>
      %dma_wait3A_115 = arith.constant 0 : i32
      %dma_wait3A_116 = arith.constant 0 : i32
      %dma_wait3A_117 = tpu.memref_slice %arg3[%dma_wait3A_115, %dma_wait3A_116] : memref<1007616x64xf32, #tpu.memory_space<hbm>> -> memref<1007616x64xf32, #tpu.memory_space<hbm>>
      tpu.wait_indirect_dma semaphore(%arg9 : memref<!tpu.dma_semaphore, #tpu.memory_space<semaphore_mem>>) src(%dma_wait3A_117 : memref<1007616x64xf32, #tpu.memory_space<hbm>>) dst(%dma_wait3A_111 : memref<128x64xf32, #tpu.memory_space<vmem>>)
      %scan3A_118 = arith.constant 1 : i32
      %scan3A_119 = arith.constant 0 : i32
      %scan3A_120 = arith.constant 16 : i32
      %scan3A_121 = arith.addi %scan3A_119, %scan3A_120 : i32
      %scan3A_122 = arith.constant 1 : i32
      %scan3A_123:8 = scf.for %scan3A_202 = %scan3A_119 to %scan3A_121 step %scan3A_122 iter_args(%scan3A_203 = %add3A_95, %scan3A_204 = %add3A_96, %scan3A_205 = %add3A_97, %scan3A_206 = %add3A_98, %scan3A_207 = %broadcast_in_dim3A_48, %scan3A_208 = %broadcast_in_dim3A_48, %scan3A_209 = %broadcast_in_dim3A_48, %scan3A_210 = %broadcast_in_dim3A_48) -> (vector<16xf32>, vector<16xf32>, vector<16xf32>, vector<16xf32>, vector<16xf32>, vector<16xf32>, vector<16xf32>, vector<16xf32>)  : i32 {
        %mul3A_211 = arith.constant 8 : i32
        %mul3A_212 = arith.muli %scan3A_202, %mul3A_211 : i32
        %add3A_213 = arith.constant 0 : i32
        %add3A_214 = arith.addi %mul3A_212, %add3A_213 : i32
        %get3A = arith.constant 0 : i32
        %get3A_215 = arith.constant 0 : i32
        %get3A_216 = tpu.memref_slice %arg6[%scan3A_118, %get3A, %get3A_215] : memref<4x128x64xf32, #tpu.memory_space<vmem>> -> memref<1x128x64xf32, #tpu.memory_space<vmem>>
        %get3A_217 = tpu.memref_squeeze %get3A_216 : memref<1x128x64xf32, #tpu.memory_space<vmem>> -> memref<128x64xf32, #tpu.memory_space<vmem>>
        %get3A_218 = arith.index_cast %add3A_214 : i32 to index
        %get3A_219 = arith.constant 0 : index
        %get3A_220 = tpu.vector_load %get3A_217[%get3A_218, %get3A_219] {strides = array<i32>} : memref<128x64xf32, #tpu.memory_space<vmem>>, vector<1x16xf32>,
        %get3A_221 = vector.shape_cast %get3A_220 : vector<1x16xf32> to vector<16xf32>
        %add3A_222 = arith.addf %scan3A_203, %get3A_221 : vector<16xf32>
        %add3A_223 = arith.constant 1 : i32
        %add3A_224 = arith.addi %add3A_214, %add3A_223 : i32
        %get3A_225 = arith.constant 0 : i32
        %get3A_226 = arith.constant 0 : i32
        %get3A_227 = tpu.memref_slice %arg6[%scan3A_118, %get3A_225, %get3A_226] : memref<4x128x64xf32, #tpu.memory_space<vmem>> -> memref<1x128x64xf32, #tpu.memory_space<vmem>>
        %get3A_228 = tpu.memref_squeeze %get3A_227 : memref<1x128x64xf32, #tpu.memory_space<vmem>> -> memref<128x64xf32, #tpu.memory_space<vmem>>
        %get3A_229 = arith.index_cast %add3A_224 : i32 to index
        %get3A_230 = arith.constant 0 : index
        %get3A_231 = tpu.vector_load %get3A_228[%get3A_229, %get3A_230] {strides = array<i32>} : memref<128x64xf32, #tpu.memory_space<vmem>>, vector<1x16xf32>,
        %get3A_232 = vector.shape_cast %get3A_231 : vector<1x16xf32> to vector<16xf32>
        %add3A_233 = arith.addf %scan3A_207, %get3A_232 : vector<16xf32>
        %get3A_234 = arith.constant 0 : i32
        %get3A_235 = arith.constant 0 : i32
        %get3A_236 = tpu.memref_slice %arg6[%scan3A_118, %get3A_234, %get3A_235] : memref<4x128x64xf32, #tpu.memory_space<vmem>> -> memref<1x128x64xf32, #tpu.memory_space<vmem>>
        %get3A_237 = tpu.memref_squeeze %get3A_236 : memref<1x128x64xf32, #tpu.memory_space<vmem>> -> memref<128x64xf32, #tpu.memory_space<vmem>>
        %get3A_238 = arith.index_cast %add3A_214 : i32 to index
        %get3A_239 = arith.constant 16 : index
        %get3A_240 = tpu.vector_load %get3A_237[%get3A_238, %get3A_239] {strides = array<i32>} : memref<128x64xf32, #tpu.memory_space<vmem>>, vector<1x16xf32>,
        %get3A_241 = vector.shape_cast %get3A_240 : vector<1x16xf32> to vector<16xf32>
        %add3A_242 = arith.addf %scan3A_204, %get3A_241 : vector<16xf32>
        %add3A_243 = arith.constant 1 : i32
        %add3A_244 = arith.addi %add3A_214, %add3A_243 : i32
        %get3A_245 = arith.constant 0 : i32
        %get3A_246 = arith.constant 0 : i32
        %get3A_247 = tpu.memref_slice %arg6[%scan3A_118, %get3A_245, %get3A_246] : memref<4x128x64xf32, #tpu.memory_space<vmem>> -> memref<1x128x64xf32, #tpu.memory_space<vmem>>
        %get3A_248 = tpu.memref_squeeze %get3A_247 : memref<1x128x64xf32, #tpu.memory_space<vmem>> -> memref<128x64xf32, #tpu.memory_space<vmem>>
        %get3A_249 = arith.index_cast %add3A_244 : i32 to index
        %get3A_250 = arith.constant 16 : index
        %get3A_251 = tpu.vector_load %get3A_248[%get3A_249, %get3A_250] {strides = array<i32>} : memref<128x64xf32, #tpu.memory_space<vmem>>, vector<1x16xf32>,
        %get3A_252 = vector.shape_cast %get3A_251 : vector<1x16xf32> to vector<16xf32>
        %add3A_253 = arith.addf %scan3A_208, %get3A_252 : vector<16xf32>
        %get3A_254 = arith.constant 0 : i32
        %get3A_255 = arith.constant 0 : i32
        %get3A_256 = tpu.memref_slice %arg6[%scan3A_118, %get3A_254, %get3A_255] : memref<4x128x64xf32, #tpu.memory_space<vmem>> -> memref<1x128x64xf32, #tpu.memory_space<vmem>>
        %get3A_257 = tpu.memref_squeeze %get3A_256 : memref<1x128x64xf32, #tpu.memory_space<vmem>> -> memref<128x64xf32, #tpu.memory_space<vmem>>
        %get3A_258 = arith.index_cast %add3A_214 : i32 to index
        %get3A_259 = arith.constant 32 : index
        %get3A_260 = tpu.vector_load %get3A_257[%get3A_258, %get3A_259] {strides = array<i32>} : memref<128x64xf32, #tpu.memory_space<vmem>>, vector<1x16xf32>,
        %get3A_261 = vector.shape_cast %get3A_260 : vector<1x16xf32> to vector<16xf32>
        %add3A_262 = arith.addf %scan3A_205, %get3A_261 : vector<16xf32>
        %add3A_263 = arith.constant 1 : i32
        %add3A_264 = arith.addi %add3A_214, %add3A_263 : i32
        %get3A_265 = arith.constant 0 : i32
        %get3A_266 = arith.constant 0 : i32
        %get3A_267 = tpu.memref_slice %arg6[%scan3A_118, %get3A_265, %get3A_266] : memref<4x128x64xf32, #tpu.memory_space<vmem>> -> memref<1x128x64xf32, #tpu.memory_space<vmem>>
        %get3A_268 = tpu.memref_squeeze %get3A_267 : memref<1x128x64xf32, #tpu.memory_space<vmem>> -> memref<128x64xf32, #tpu.memory_space<vmem>>
        %get3A_269 = arith.index_cast %add3A_264 : i32 to index
        %get3A_270 = arith.constant 32 : index
        %get3A_271 = tpu.vector_load %get3A_268[%get3A_269, %get3A_270] {strides = array<i32>} : memref<128x64xf32, #tpu.memory_space<vmem>>, vector<1x16xf32>,
        %get3A_272 = vector.shape_cast %get3A_271 : vector<1x16xf32> to vector<16xf32>
        %add3A_273 = arith.addf %scan3A_209, %get3A_272 : vector<16xf32>
        %get3A_274 = arith.constant 0 : i32
        %get3A_275 = arith.constant 0 : i32
        %get3A_276 = tpu.memref_slice %arg6[%scan3A_118, %get3A_274, %get3A_275] : memref<4x128x64xf32, #tpu.memory_space<vmem>> -> memref<1x128x64xf32, #tpu.memory_space<vmem>>
        %get3A_277 = tpu.memref_squeeze %get3A_276 : memref<1x128x64xf32, #tpu.memory_space<vmem>> -> memref<128x64xf32, #tpu.memory_space<vmem>>
        %get3A_278 = arith.index_cast %add3A_214 : i32 to index
        %get3A_279 = arith.constant 48 : index
        %get3A_280 = tpu.vector_load %get3A_277[%get3A_278, %get3A_279] {strides = array<i32>} : memref<128x64xf32, #tpu.memory_space<vmem>>, vector<1x16xf32>,
        %get3A_281 = vector.shape_cast %get3A_280 : vector<1x16xf32> to vector<16xf32>
        %add3A_282 = arith.addf %scan3A_206, %get3A_281 : vector<16xf32>
        %add3A_283 = arith.constant 1 : i32
        %add3A_284 = arith.addi %add3A_214, %add3A_283 : i32
        %get3A_285 = arith.constant 0 : i32
        %get3A_286 = arith.constant 0 : i32
        %get3A_287 = tpu.memref_slice %arg6[%scan3A_118, %get3A_285, %get3A_286] : memref<4x128x64xf32, #tpu.memory_space<vmem>> -> memref<1x128x64xf32, #tpu.memory_space<vmem>>
        %get3A_288 = tpu.memref_squeeze %get3A_287 : memref<1x128x64xf32, #tpu.memory_space<vmem>> -> memref<128x64xf32, #tpu.memory_space<vmem>>
        %get3A_289 = arith.index_cast %add3A_284 : i32 to index
        %get3A_290 = arith.constant 48 : index
        %get3A_291 = tpu.vector_load %get3A_288[%get3A_289, %get3A_290] {strides = array<i32>} : memref<128x64xf32, #tpu.memory_space<vmem>>, vector<1x16xf32>,
        %get3A_292 = vector.shape_cast %get3A_291 : vector<1x16xf32> to vector<16xf32>
        %add3A_293 = arith.addf %scan3A_210, %get3A_292 : vector<16xf32>
        %mul3A_294 = arith.constant 8 : i32
        %mul3A_295 = arith.muli %scan3A_202, %mul3A_294 : i32
        %add3A_296 = arith.constant 2 : i32
        %add3A_297 = arith.addi %mul3A_295, %add3A_296 : i32
        %get3A_298 = arith.constant 0 : i32
        %get3A_299 = arith.constant 0 : i32
        %get3A_300 = tpu.memref_slice %arg6[%scan3A_118, %get3A_298, %get3A_299] : memref<4x128x64xf32, #tpu.memory_space<vmem>> -> memref<1x128x64xf32, #tpu.memory_space<vmem>>
        %get3A_301 = tpu.memref_squeeze %get3A_300 : memref<1x128x64xf32, #tpu.memory_space<vmem>> -> memref<128x64xf32, #tpu.memory_space<vmem>>
        %get3A_302 = arith.index_cast %add3A_297 : i32 to index
        %get3A_303 = arith.constant 0 : index
        %get3A_304 = tpu.vector_load %get3A_301[%get3A_302, %get3A_303] {strides = array<i32>} : memref<128x64xf32, #tpu.memory_space<vmem>>, vector<1x16xf32>,
        %get3A_305 = vector.shape_cast %get3A_304 : vector<1x16xf32> to vector<16xf32>
        %add3A_306 = arith.addf %add3A_222, %get3A_305 : vector<16xf32>
        %add3A_307 = arith.constant 1 : i32
        %add3A_308 = arith.addi %add3A_297, %add3A_307 : i32
        %get3A_309 = arith.constant 0 : i32
        %get3A_310 = arith.constant 0 : i32
        %get3A_311 = tpu.memref_slice %arg6[%scan3A_118, %get3A_309, %get3A_310] : memref<4x128x64xf32, #tpu.memory_space<vmem>> -> memref<1x128x64xf32, #tpu.memory_space<vmem>>
        %get3A_312 = tpu.memref_squeeze %get3A_311 : memref<1x128x64xf32, #tpu.memory_space<vmem>> -> memref<128x64xf32, #tpu.memory_space<vmem>>
        %get3A_313 = arith.index_cast %add3A_308 : i32 to index
        %get3A_314 = arith.constant 0 : index
        %get3A_315 = tpu.vector_load %get3A_312[%get3A_313, %get3A_314] {strides = array<i32>} : memref<128x64xf32, #tpu.memory_space<vmem>>, vector<1x16xf32>,
        %get3A_316 = vector.shape_cast %get3A_315 : vector<1x16xf32> to vector<16xf32>
        %add3A_317 = arith.addf %add3A_233, %get3A_316 : vector<16xf32>
        %get3A_318 = arith.constant 0 : i32
        %get3A_319 = arith.constant 0 : i32
        %get3A_320 = tpu.memref_slice %arg6[%scan3A_118, %get3A_318, %get3A_319] : memref<4x128x64xf32, #tpu.memory_space<vmem>> -> memref<1x128x64xf32, #tpu.memory_space<vmem>>
        %get3A_321 = tpu.memref_squeeze %get3A_320 : memref<1x128x64xf32, #tpu.memory_space<vmem>> -> memref<128x64xf32, #tpu.memory_space<vmem>>
        %get3A_322 = arith.index_cast %add3A_297 : i32 to index
        %get3A_323 = arith.constant 16 : index
        %get3A_324 = tpu.vector_load %get3A_321[%get3A_322, %get3A_323] {strides = array<i32>} : memref<128x64xf32, #tpu.memory_space<vmem>>, vector<1x16xf32>,
        %get3A_325 = vector.shape_cast %get3A_324 : vector<1x16xf32> to vector<16xf32>
        %add3A_326 = arith.addf %add3A_242, %get3A_325 : vector<16xf32>
        %add3A_327 = arith.constant 1 : i32
        %add3A_328 = arith.addi %add3A_297, %add3A_327 : i32
        %get3A_329 = arith.constant 0 : i32
        %get3A_330 = arith.constant 0 : i32
        %get3A_331 = tpu.memref_slice %arg6[%scan3A_118, %get3A_329, %get3A_330] : memref<4x128x64xf32, #tpu.memory_space<vmem>> -> memref<1x128x64xf32, #tpu.memory_space<vmem>>
        %get3A_332 = tpu.memref_squeeze %get3A_331 : memref<1x128x64xf32, #tpu.memory_space<vmem>> -> memref<128x64xf32, #tpu.memory_space<vmem>>
        %get3A_333 = arith.index_cast %add3A_328 : i32 to index
        %get3A_334 = arith.constant 16 : index
        %get3A_335 = tpu.vector_load %get3A_332[%get3A_333, %get3A_334] {strides = array<i32>} : memref<128x64xf32, #tpu.memory_space<vmem>>, vector<1x16xf32>,
        %get3A_336 = vector.shape_cast %get3A_335 : vector<1x16xf32> to vector<16xf32>
        %add3A_337 = arith.addf %add3A_253, %get3A_336 : vector<16xf32>
        %get3A_338 = arith.constant 0 : i32
        %get3A_339 = arith.constant 0 : i32
        %get3A_340 = tpu.memref_slice %arg6[%scan3A_118, %get3A_338, %get3A_339] : memref<4x128x64xf32, #tpu.memory_space<vmem>> -> memref<1x128x64xf32, #tpu.memory_space<vmem>>
        %get3A_341 = tpu.memref_squeeze %get3A_340 : memref<1x128x64xf32, #tpu.memory_space<vmem>> -> memref<128x64xf32, #tpu.memory_space<vmem>>
        %get3A_342 = arith.index_cast %add3A_297 : i32 to index
        %get3A_343 = arith.constant 32 : index
        %get3A_344 = tpu.vector_load %get3A_341[%get3A_342, %get3A_343] {strides = array<i32>} : memref<128x64xf32, #tpu.memory_space<vmem>>, vector<1x16xf32>,
        %get3A_345 = vector.shape_cast %get3A_344 : vector<1x16xf32> to vector<16xf32>
        %add3A_346 = arith.addf %add3A_262, %get3A_345 : vector<16xf32>
        %add3A_347 = arith.constant 1 : i32
        %add3A_348 = arith.addi %add3A_297, %add3A_347 : i32
        %get3A_349 = arith.constant 0 : i32
        %get3A_350 = arith.constant 0 : i32
        %get3A_351 = tpu.memref_slice %arg6[%scan3A_118, %get3A_349, %get3A_350] : memref<4x128x64xf32, #tpu.memory_space<vmem>> -> memref<1x128x64xf32, #tpu.memory_space<vmem>>
        %get3A_352 = tpu.memref_squeeze %get3A_351 : memref<1x128x64xf32, #tpu.memory_space<vmem>> -> memref<128x64xf32, #tpu.memory_space<vmem>>
        %get3A_353 = arith.index_cast %add3A_348 : i32 to index
        %get3A_354 = arith.constant 32 : index
        %get3A_355 = tpu.vector_load %get3A_352[%get3A_353, %get3A_354] {strides = array<i32>} : memref<128x64xf32, #tpu.memory_space<vmem>>, vector<1x16xf32>,
        %get3A_356 = vector.shape_cast %get3A_355 : vector<1x16xf32> to vector<16xf32>
        %add3A_357 = arith.addf %add3A_273, %get3A_356 : vector<16xf32>
        %get3A_358 = arith.constant 0 : i32
        %get3A_359 = arith.constant 0 : i32
        %get3A_360 = tpu.memref_slice %arg6[%scan3A_118, %get3A_358, %get3A_359] : memref<4x128x64xf32, #tpu.memory_space<vmem>> -> memref<1x128x64xf32, #tpu.memory_space<vmem>>
        %get3A_361 = tpu.memref_squeeze %get3A_360 : memref<1x128x64xf32, #tpu.memory_space<vmem>> -> memref<128x64xf32, #tpu.memory_space<vmem>>
        %get3A_362 = arith.index_cast %add3A_297 : i32 to index
        %get3A_363 = arith.constant 48 : index
        %get3A_364 = tpu.vector_load %get3A_361[%get3A_362, %get3A_363] {strides = array<i32>} : memref<128x64xf32, #tpu.memory_space<vmem>>, vector<1x16xf32>,
        %get3A_365 = vector.shape_cast %get3A_364 : vector<1x16xf32> to vector<16xf32>
        %add3A_366 = arith.addf %add3A_282, %get3A_365 : vector<16xf32>
        %add3A_367 = arith.constant 1 : i32
        %add3A_368 = arith.addi %add3A_297, %add3A_367 : i32
        %get3A_369 = arith.constant 0 : i32
        %get3A_370 = arith.constant 0 : i32
        %get3A_371 = tpu.memref_slice %arg6[%scan3A_118, %get3A_369, %get3A_370] : memref<4x128x64xf32, #tpu.memory_space<vmem>> -> memref<1x128x64xf32, #tpu.memory_space<vmem>>
        %get3A_372 = tpu.memref_squeeze %get3A_371 : memref<1x128x64xf32, #tpu.memory_space<vmem>> -> memref<128x64xf32, #tpu.memory_space<vmem>>
        %get3A_373 = arith.index_cast %add3A_368 : i32 to index
        %get3A_374 = arith.constant 48 : index
        %get3A_375 = tpu.vector_load %get3A_372[%get3A_373, %get3A_374] {strides = array<i32>} : memref<128x64xf32, #tpu.memory_space<vmem>>, vector<1x16xf32>,
        %get3A_376 = vector.shape_cast %get3A_375 : vector<1x16xf32> to vector<16xf32>
        %add3A_377 = arith.addf %add3A_293, %get3A_376 : vector<16xf32>
        %mul3A_378 = arith.constant 8 : i32
        %mul3A_379 = arith.muli %scan3A_202, %mul3A_378 : i32
        %add3A_380 = arith.constant 4 : i32
        %add3A_381 = arith.addi %mul3A_379, %add3A_380 : i32
        %get3A_382 = arith.constant 0 : i32
        %get3A_383 = arith.constant 0 : i32
        %get3A_384 = tpu.memref_slice %arg6[%scan3A_118, %get3A_382, %get3A_383] : memref<4x128x64xf32, #tpu.memory_space<vmem>> -> memref<1x128x64xf32, #tpu.memory_space<vmem>>
        %get3A_385 = tpu.memref_squeeze %get3A_384 : memref<1x128x64xf32, #tpu.memory_space<vmem>> -> memref<128x64xf32, #tpu.memory_space<vmem>>
        %get3A_386 = arith.index_cast %add3A_381 : i32 to index
        %get3A_387 = arith.constant 0 : index
        %get3A_388 = tpu.vector_load %get3A_385[%get3A_386, %get3A_387] {strides = array<i32>} : memref<128x64xf32, #tpu.memory_space<vmem>>, vector<1x16xf32>,
        %get3A_389 = vector.shape_cast %get3A_388 : vector<1x16xf32> to vector<16xf32>
        %add3A_390 = arith.addf %add3A_306, %get3A_389 : vector<16xf32>
        %add3A_391 = arith.constant 1 : i32
        %add3A_392 = arith.addi %add3A_381, %add3A_391 : i32
        %get3A_393 = arith.constant 0 : i32
        %get3A_394 = arith.constant 0 : i32
        %get3A_395 = tpu.memref_slice %arg6[%scan3A_118, %get3A_393, %get3A_394] : memref<4x128x64xf32, #tpu.memory_space<vmem>> -> memref<1x128x64xf32, #tpu.memory_space<vmem>>
        %get3A_396 = tpu.memref_squeeze %get3A_395 : memref<1x128x64xf32, #tpu.memory_space<vmem>> -> memref<128x64xf32, #tpu.memory_space<vmem>>
        %get3A_397 = arith.index_cast %add3A_392 : i32 to index
        %get3A_398 = arith.constant 0 : index
        %get3A_399 = tpu.vector_load %get3A_396[%get3A_397, %get3A_398] {strides = array<i32>} : memref<128x64xf32, #tpu.memory_space<vmem>>, vector<1x16xf32>,
        %get3A_400 = vector.shape_cast %get3A_399 : vector<1x16xf32> to vector<16xf32>
        %add3A_401 = arith.addf %add3A_317, %get3A_400 : vector<16xf32>
        %get3A_402 = arith.constant 0 : i32
        %get3A_403 = arith.constant 0 : i32
        %get3A_404 = tpu.memref_slice %arg6[%scan3A_118, %get3A_402, %get3A_403] : memref<4x128x64xf32, #tpu.memory_space<vmem>> -> memref<1x128x64xf32, #tpu.memory_space<vmem>>
        %get3A_405 = tpu.memref_squeeze %get3A_404 : memref<1x128x64xf32, #tpu.memory_space<vmem>> -> memref<128x64xf32, #tpu.memory_space<vmem>>
        %get3A_406 = arith.index_cast %add3A_381 : i32 to index
        %get3A_407 = arith.constant 16 : index
        %get3A_408 = tpu.vector_load %get3A_405[%get3A_406, %get3A_407] {strides = array<i32>} : memref<128x64xf32, #tpu.memory_space<vmem>>, vector<1x16xf32>,
        %get3A_409 = vector.shape_cast %get3A_408 : vector<1x16xf32> to vector<16xf32>
        %add3A_410 = arith.addf %add3A_326, %get3A_409 : vector<16xf32>
        %add3A_411 = arith.constant 1 : i32
        %add3A_412 = arith.addi %add3A_381, %add3A_411 : i32
        %get3A_413 = arith.constant 0 : i32
        %get3A_414 = arith.constant 0 : i32
        %get3A_415 = tpu.memref_slice %arg6[%scan3A_118, %get3A_413, %get3A_414] : memref<4x128x64xf32, #tpu.memory_space<vmem>> -> memref<1x128x64xf32, #tpu.memory_space<vmem>>
        %get3A_416 = tpu.memref_squeeze %get3A_415 : memref<1x128x64xf32, #tpu.memory_space<vmem>> -> memref<128x64xf32, #tpu.memory_space<vmem>>
        %get3A_417 = arith.index_cast %add3A_412 : i32 to index
        %get3A_418 = arith.constant 16 : index
        %get3A_419 = tpu.vector_load %get3A_416[%get3A_417, %get3A_418] {strides = array<i32>} : memref<128x64xf32, #tpu.memory_space<vmem>>, vector<1x16xf32>,
        %get3A_420 = vector.shape_cast %get3A_419 : vector<1x16xf32> to vector<16xf32>
        %add3A_421 = arith.addf %add3A_337, %get3A_420 : vector<16xf32>
        %get3A_422 = arith.constant 0 : i32
        %get3A_423 = arith.constant 0 : i32
        %get3A_424 = tpu.memref_slice %arg6[%scan3A_118, %get3A_422, %get3A_423] : memref<4x128x64xf32, #tpu.memory_space<vmem>> -> memref<1x128x64xf32, #tpu.memory_space<vmem>>
        %get3A_425 = tpu.memref_squeeze %get3A_424 : memref<1x128x64xf32, #tpu.memory_space<vmem>> -> memref<128x64xf32, #tpu.memory_space<vmem>>
        %get3A_426 = arith.index_cast %add3A_381 : i32 to index
        %get3A_427 = arith.constant 32 : index
        %get3A_428 = tpu.vector_load %get3A_425[%get3A_426, %get3A_427] {strides = array<i32>} : memref<128x64xf32, #tpu.memory_space<vmem>>, vector<1x16xf32>,
        %get3A_429 = vector.shape_cast %get3A_428 : vector<1x16xf32> to vector<16xf32>
        %add3A_430 = arith.addf %add3A_346, %get3A_429 : vector<16xf32>
        %add3A_431 = arith.constant 1 : i32
        %add3A_432 = arith.addi %add3A_381, %add3A_431 : i32
        %get3A_433 = arith.constant 0 : i32
        %get3A_434 = arith.constant 0 : i32
        %get3A_435 = tpu.memref_slice %arg6[%scan3A_118, %get3A_433, %get3A_434] : memref<4x128x64xf32, #tpu.memory_space<vmem>> -> memref<1x128x64xf32, #tpu.memory_space<vmem>>
        %get3A_436 = tpu.memref_squeeze %get3A_435 : memref<1x128x64xf32, #tpu.memory_space<vmem>> -> memref<128x64xf32, #tpu.memory_space<vmem>>
        %get3A_437 = arith.index_cast %add3A_432 : i32 to index
        %get3A_438 = arith.constant 32 : index
        %get3A_439 = tpu.vector_load %get3A_436[%get3A_437, %get3A_438] {strides = array<i32>} : memref<128x64xf32, #tpu.memory_space<vmem>>, vector<1x16xf32>,
        %get3A_440 = vector.shape_cast %get3A_439 : vector<1x16xf32> to vector<16xf32>
        %add3A_441 = arith.addf %add3A_357, %get3A_440 : vector<16xf32>
        %get3A_442 = arith.constant 0 : i32
        %get3A_443 = arith.constant 0 : i32
        %get3A_444 = tpu.memref_slice %arg6[%scan3A_118, %get3A_442, %get3A_443] : memref<4x128x64xf32, #tpu.memory_space<vmem>> -> memref<1x128x64xf32, #tpu.memory_space<vmem>>
        %get3A_445 = tpu.memref_squeeze %get3A_444 : memref<1x128x64xf32, #tpu.memory_space<vmem>> -> memref<128x64xf32, #tpu.memory_space<vmem>>
        %get3A_446 = arith.index_cast %add3A_381 : i32 to index
        %get3A_447 = arith.constant 48 : index
        %get3A_448 = tpu.vector_load %get3A_445[%get3A_446, %get3A_447] {strides = array<i32>} : memref<128x64xf32, #tpu.memory_space<vmem>>, vector<1x16xf32>,
        %get3A_449 = vector.shape_cast %get3A_448 : vector<1x16xf32> to vector<16xf32>
        %add3A_450 = arith.addf %add3A_366, %get3A_449 : vector<16xf32>
        %add3A_451 = arith.constant 1 : i32
        %add3A_452 = arith.addi %add3A_381, %add3A_451 : i32
        %get3A_453 = arith.constant 0 : i32
        %get3A_454 = arith.constant 0 : i32
        %get3A_455 = tpu.memref_slice %arg6[%scan3A_118, %get3A_453, %get3A_454] : memref<4x128x64xf32, #tpu.memory_space<vmem>> -> memref<1x128x64xf32, #tpu.memory_space<vmem>>
        %get3A_456 = tpu.memref_squeeze %get3A_455 : memref<1x128x64xf32, #tpu.memory_space<vmem>> -> memref<128x64xf32, #tpu.memory_space<vmem>>
        %get3A_457 = arith.index_cast %add3A_452 : i32 to index
        %get3A_458 = arith.constant 48 : index
        %get3A_459 = tpu.vector_load %get3A_456[%get3A_457, %get3A_458] {strides = array<i32>} : memref<128x64xf32, #tpu.memory_space<vmem>>, vector<1x16xf32>,
        %get3A_460 = vector.shape_cast %get3A_459 : vector<1x16xf32> to vector<16xf32>
        %add3A_461 = arith.addf %add3A_377, %get3A_460 : vector<16xf32>
        %mul3A_462 = arith.constant 8 : i32
        %mul3A_463 = arith.muli %scan3A_202, %mul3A_462 : i32
        %add3A_464 = arith.constant 6 : i32
        %add3A_465 = arith.addi %mul3A_463, %add3A_464 : i32
        %get3A_466 = arith.constant 0 : i32
        %get3A_467 = arith.constant 0 : i32
        %get3A_468 = tpu.memref_slice %arg6[%scan3A_118, %get3A_466, %get3A_467] : memref<4x128x64xf32, #tpu.memory_space<vmem>> -> memref<1x128x64xf32, #tpu.memory_space<vmem>>
        %get3A_469 = tpu.memref_squeeze %get3A_468 : memref<1x128x64xf32, #tpu.memory_space<vmem>> -> memref<128x64xf32, #tpu.memory_space<vmem>>
        %get3A_470 = arith.index_cast %add3A_465 : i32 to index
        %get3A_471 = arith.constant 0 : index
        %get3A_472 = tpu.vector_load %get3A_469[%get3A_470, %get3A_471] {strides = array<i32>} : memref<128x64xf32, #tpu.memory_space<vmem>>, vector<1x16xf32>,
        %get3A_473 = vector.shape_cast %get3A_472 : vector<1x16xf32> to vector<16xf32>
        %add3A_474 = arith.addf %add3A_390, %get3A_473 : vector<16xf32>
        %add3A_475 = arith.constant 1 : i32
        %add3A_476 = arith.addi %add3A_465, %add3A_475 : i32
        %get3A_477 = arith.constant 0 : i32
        %get3A_478 = arith.constant 0 : i32
        %get3A_479 = tpu.memref_slice %arg6[%scan3A_118, %get3A_477, %get3A_478] : memref<4x128x64xf32, #tpu.memory_space<vmem>> -> memref<1x128x64xf32, #tpu.memory_space<vmem>>
        %get3A_480 = tpu.memref_squeeze %get3A_479 : memref<1x128x64xf32, #tpu.memory_space<vmem>> -> memref<128x64xf32, #tpu.memory_space<vmem>>
        %get3A_481 = arith.index_cast %add3A_476 : i32 to index
        %get3A_482 = arith.constant 0 : index
        %get3A_483 = tpu.vector_load %get3A_480[%get3A_481, %get3A_482] {strides = array<i32>} : memref<128x64xf32, #tpu.memory_space<vmem>>, vector<1x16xf32>,
        %get3A_484 = vector.shape_cast %get3A_483 : vector<1x16xf32> to vector<16xf32>
        %add3A_485 = arith.addf %add3A_401, %get3A_484 : vector<16xf32>
        %get3A_486 = arith.constant 0 : i32
        %get3A_487 = arith.constant 0 : i32
        %get3A_488 = tpu.memref_slice %arg6[%scan3A_118, %get3A_486, %get3A_487] : memref<4x128x64xf32, #tpu.memory_space<vmem>> -> memref<1x128x64xf32, #tpu.memory_space<vmem>>
        %get3A_489 = tpu.memref_squeeze %get3A_488 : memref<1x128x64xf32, #tpu.memory_space<vmem>> -> memref<128x64xf32, #tpu.memory_space<vmem>>
        %get3A_490 = arith.index_cast %add3A_465 : i32 to index
        %get3A_491 = arith.constant 16 : index
        %get3A_492 = tpu.vector_load %get3A_489[%get3A_490, %get3A_491] {strides = array<i32>} : memref<128x64xf32, #tpu.memory_space<vmem>>, vector<1x16xf32>,
        %get3A_493 = vector.shape_cast %get3A_492 : vector<1x16xf32> to vector<16xf32>
        %add3A_494 = arith.addf %add3A_410, %get3A_493 : vector<16xf32>
        %add3A_495 = arith.constant 1 : i32
        %add3A_496 = arith.addi %add3A_465, %add3A_495 : i32
        %get3A_497 = arith.constant 0 : i32
        %get3A_498 = arith.constant 0 : i32
        %get3A_499 = tpu.memref_slice %arg6[%scan3A_118, %get3A_497, %get3A_498] : memref<4x128x64xf32, #tpu.memory_space<vmem>> -> memref<1x128x64xf32, #tpu.memory_space<vmem>>
        %get3A_500 = tpu.memref_squeeze %get3A_499 : memref<1x128x64xf32, #tpu.memory_space<vmem>> -> memref<128x64xf32, #tpu.memory_space<vmem>>
        %get3A_501 = arith.index_cast %add3A_496 : i32 to index
        %get3A_502 = arith.constant 16 : index
        %get3A_503 = tpu.vector_load %get3A_500[%get3A_501, %get3A_502] {strides = array<i32>} : memref<128x64xf32, #tpu.memory_space<vmem>>, vector<1x16xf32>,
        %get3A_504 = vector.shape_cast %get3A_503 : vector<1x16xf32> to vector<16xf32>
        %add3A_505 = arith.addf %add3A_421, %get3A_504 : vector<16xf32>
        %get3A_506 = arith.constant 0 : i32
        %get3A_507 = arith.constant 0 : i32
        %get3A_508 = tpu.memref_slice %arg6[%scan3A_118, %get3A_506, %get3A_507] : memref<4x128x64xf32, #tpu.memory_space<vmem>> -> memref<1x128x64xf32, #tpu.memory_space<vmem>>
        %get3A_509 = tpu.memref_squeeze %get3A_508 : memref<1x128x64xf32, #tpu.memory_space<vmem>> -> memref<128x64xf32, #tpu.memory_space<vmem>>
        %get3A_510 = arith.index_cast %add3A_465 : i32 to index
        %get3A_511 = arith.constant 32 : index
        %get3A_512 = tpu.vector_load %get3A_509[%get3A_510, %get3A_511] {strides = array<i32>} : memref<128x64xf32, #tpu.memory_space<vmem>>, vector<1x16xf32>,
        %get3A_513 = vector.shape_cast %get3A_512 : vector<1x16xf32> to vector<16xf32>
        %add3A_514 = arith.addf %add3A_430, %get3A_513 : vector<16xf32>
        %add3A_515 = arith.constant 1 : i32
        %add3A_516 = arith.addi %add3A_465, %add3A_515 : i32
        %get3A_517 = arith.constant 0 : i32
        %get3A_518 = arith.constant 0 : i32
        %get3A_519 = tpu.memref_slice %arg6[%scan3A_118, %get3A_517, %get3A_518] : memref<4x128x64xf32, #tpu.memory_space<vmem>> -> memref<1x128x64xf32, #tpu.memory_space<vmem>>
        %get3A_520 = tpu.memref_squeeze %get3A_519 : memref<1x128x64xf32, #tpu.memory_space<vmem>> -> memref<128x64xf32, #tpu.memory_space<vmem>>
        %get3A_521 = arith.index_cast %add3A_516 : i32 to index
        %get3A_522 = arith.constant 32 : index
        %get3A_523 = tpu.vector_load %get3A_520[%get3A_521, %get3A_522] {strides = array<i32>} : memref<128x64xf32, #tpu.memory_space<vmem>>, vector<1x16xf32>,
        %get3A_524 = vector.shape_cast %get3A_523 : vector<1x16xf32> to vector<16xf32>
        %add3A_525 = arith.addf %add3A_441, %get3A_524 : vector<16xf32>
        %get3A_526 = arith.constant 0 : i32
        %get3A_527 = arith.constant 0 : i32
        %get3A_528 = tpu.memref_slice %arg6[%scan3A_118, %get3A_526, %get3A_527] : memref<4x128x64xf32, #tpu.memory_space<vmem>> -> memref<1x128x64xf32, #tpu.memory_space<vmem>>
        %get3A_529 = tpu.memref_squeeze %get3A_528 : memref<1x128x64xf32, #tpu.memory_space<vmem>> -> memref<128x64xf32, #tpu.memory_space<vmem>>
        %get3A_530 = arith.index_cast %add3A_465 : i32 to index
        %get3A_531 = arith.constant 48 : index
        %get3A_532 = tpu.vector_load %get3A_529[%get3A_530, %get3A_531] {strides = array<i32>} : memref<128x64xf32, #tpu.memory_space<vmem>>, vector<1x16xf32>,
        %get3A_533 = vector.shape_cast %get3A_532 : vector<1x16xf32> to vector<16xf32>
        %add3A_534 = arith.addf %add3A_450, %get3A_533 : vector<16xf32>
        %add3A_535 = arith.constant 1 : i32
        %add3A_536 = arith.addi %add3A_465, %add3A_535 : i32
        %get3A_537 = arith.constant 0 : i32
        %get3A_538 = arith.constant 0 : i32
        %get3A_539 = tpu.memref_slice %arg6[%scan3A_118, %get3A_537, %get3A_538] : memref<4x128x64xf32, #tpu.memory_space<vmem>> -> memref<1x128x64xf32, #tpu.memory_space<vmem>>
        %get3A_540 = tpu.memref_squeeze %get3A_539 : memref<1x128x64xf32, #tpu.memory_space<vmem>> -> memref<128x64xf32, #tpu.memory_space<vmem>>
        %get3A_541 = arith.index_cast %add3A_536 : i32 to index
        %get3A_542 = arith.constant 48 : index
        %get3A_543 = tpu.vector_load %get3A_540[%get3A_541, %get3A_542] {strides = array<i32>} : memref<128x64xf32, #tpu.memory_space<vmem>>, vector<1x16xf32>,
        %get3A_544 = vector.shape_cast %get3A_543 : vector<1x16xf32> to vector<16xf32>
        %add3A_545 = arith.addf %add3A_461, %get3A_544 : vector<16xf32>
        scf.yield %add3A_474, %add3A_494, %add3A_514, %add3A_534, %add3A_485, %add3A_505, %add3A_525, %add3A_545 : vector<16xf32>, vector<16xf32>, vector<16xf32>, vector<16xf32>, vector<16xf32>, vector<16xf32>, vector<16xf32>, vector<16xf32>
      }
      %scan3A_124 = arith.constant 16 : i32
      %add3A_125 = arith.addf %scan3A_123#0, %scan3A_123#4 : vector<16xf32>
      %add3A_126 = arith.addf %scan3A_123#1, %scan3A_123#5 : vector<16xf32>
      %add3A_127 = arith.addf %scan3A_123#2, %scan3A_123#6 : vector<16xf32>
      %add3A_128 = arith.addf %scan3A_123#3, %scan3A_123#7 : vector<16xf32>
      %add3A_129 = arith.constant 4 : i32
      %add3A_130 = arith.addi %add3A_106, %add3A_129 : i32
      %lt3A_131 = arith.constant 64 : i32
      %lt3A_132 = arith.cmpi slt, %add3A_130, %lt3A_131 : i32
      %convert_element_type3A_133 = arith.extui %lt3A_132 : i1 to i32
      %cond3A_134 = arith.constant 0 : i32
      %cond3A_135 = arith.cmpi ne, %convert_element_type3A_133, %cond3A_134 : i32
      scf.if %cond3A_135 {
        %add3A_202 = arith.constant 4 : i32
        %add3A_203 = arith.addi %add3A_106, %add3A_202 : i32
        %dma_start3A_204 = arith.constant 1 : i32
        %dma_start3A_205 = arith.constant 0 : i32
        %dma_start3A_206 = arith.constant 0 : i32
        %dma_start3A_207 = tpu.memref_slice %arg6[%dma_start3A_204, %dma_start3A_205, %dma_start3A_206] : memref<4x128x64xf32, #tpu.memory_space<vmem>> -> memref<1x128x64xf32, #tpu.memory_space<vmem>>
        %dma_start3A_208 = tpu.memref_squeeze %dma_start3A_207 : memref<1x128x64xf32, #tpu.memory_space<vmem>> -> memref<128x64xf32, #tpu.memory_space<vmem>>
        %dma_start3A_209 = arith.constant 0 : i32
        %dma_start3A_210 = tpu.memref_slice %arg5[%add3A_203, %dma_start3A_209] : memref<64x128xi32, #tpu.memory_space<vmem>> -> memref<1x128xi32, #tpu.memory_space<vmem>>
        %dma_start3A_211 = tpu.memref_squeeze %dma_start3A_210 : memref<1x128xi32, #tpu.memory_space<vmem>> -> memref<128xi32, #tpu.memory_space<vmem>>
        %dma_start3A_212 = arith.constant 0 : i32
        %dma_start3A_213 = arith.constant 0 : i32
        %dma_start3A_214 = tpu.memref_slice %arg3[%dma_start3A_212, %dma_start3A_213] : memref<1007616x64xf32, #tpu.memory_space<hbm>> -> memref<1007616x64xf32, #tpu.memory_space<hbm>>
        tpu.enqueue_indirect_dma source(%dma_start3A_214 : memref<1007616x64xf32, #tpu.memory_space<hbm>>) target(%dma_start3A_208 : memref<128x64xf32, #tpu.memory_space<vmem>>) offsets(%dma_start3A_211 : memref<128xi32, #tpu.memory_space<vmem>>) semaphore(%arg9 : memref<!tpu.dma_semaphore, #tpu.memory_space<semaphore_mem>>)
      } else {
      }
      %mul3A_136 = arith.constant 4 : i32
      %mul3A_137 = arith.muli %scan3A_69, %mul3A_136 : i32
      %add3A_138 = arith.constant 2 : i32
      %add3A_139 = arith.addi %mul3A_137, %add3A_138 : i32
      %dma_wait3A_140 = arith.constant 2 : i32
      %dma_wait3A_141 = arith.constant 0 : i32
      %dma_wait3A_142 = arith.constant 0 : i32
      %dma_wait3A_143 = tpu.memref_slice %arg6[%dma_wait3A_140, %dma_wait3A_141, %dma_wait3A_142] : memref<4x128x64xf32, #tpu.memory_space<vmem>> -> memref<1x128x64xf32, #tpu.memory_space<vmem>>
      %dma_wait3A_144 = tpu.memref_squeeze %dma_wait3A_143 : memref<1x128x64xf32, #tpu.memory_space<vmem>> -> memref<128x64xf32, #tpu.memory_space<vmem>>
      %dma_wait3A_145 = arith.constant 0 : i32
      %dma_wait3A_146 = tpu.memref_slice %arg5[%add3A_139, %dma_wait3A_145] : memref<64x128xi32, #tpu.memory_space<vmem>> -> memref<1x128xi32, #tpu.memory_space<vmem>>
      %dma_wait3A_147 = tpu.memref_squeeze %dma_wait3A_146 : memref<1x128xi32, #tpu.memory_space<vmem>> -> memref<128xi32, #tpu.memory_space<vmem>>
      %dma_wait3A_148 = arith.constant 0 : i32
      %dma_wait3A_149 = arith.constant 0 : i32
      %dma_wait3A_150 = tpu.memref_slice %arg3[%dma_wait3A_148, %dma_wait3A_149] : memref<1007616x64xf32, #tpu.memory_space<hbm>> -> memref<1007616x64xf32, #tpu.memory_space<hbm>>
      tpu.wait_indirect_dma semaphore(%arg10 : memref<!tpu.dma_semaphore, #tpu.memory_space<semaphore_mem>>) src(%dma_wait3A_150 : memref<1007616x64xf32, #tpu.memory_space<hbm>>) dst(%dma_wait3A_144 : memref<128x64xf32, #tpu.memory_space<vmem>>)
      %scan3A_151 = arith.constant 2 : i32
      %scan3A_152 = arith.constant 0 : i32
      %scan3A_153 = arith.constant 16 : i32
      %scan3A_154 = arith.addi %scan3A_152, %scan3A_153 : i32
      %scan3A_155 = arith.constant 1 : i32
      %scan3A_156:8 = scf.for %scan3A_202 = %scan3A_152 to %scan3A_154 step %scan3A_155 iter_args(%scan3A_203 = %add3A_125, %scan3A_204 = %add3A_126, %scan3A_205 = %add3A_127, %scan3A_206 = %add3A_128, %scan3A_207 = %broadcast_in_dim3A_48, %scan3A_208 = %broadcast_in_dim3A_48, %scan3A_209 = %broadcast_in_dim3A_48, %scan3A_210 = %broadcast_in_dim3A_48) -> (vector<16xf32>, vector<16xf32>, vector<16xf32>, vector<16xf32>, vector<16xf32>, vector<16xf32>, vector<16xf32>, vector<16xf32>)  : i32 {
        %mul3A_211 = arith.constant 8 : i32
        %mul3A_212 = arith.muli %scan3A_202, %mul3A_211 : i32
        %add3A_213 = arith.constant 0 : i32
        %add3A_214 = arith.addi %mul3A_212, %add3A_213 : i32
        %get3A = arith.constant 0 : i32
        %get3A_215 = arith.constant 0 : i32
        %get3A_216 = tpu.memref_slice %arg6[%scan3A_151, %get3A, %get3A_215] : memref<4x128x64xf32, #tpu.memory_space<vmem>> -> memref<1x128x64xf32, #tpu.memory_space<vmem>>
        %get3A_217 = tpu.memref_squeeze %get3A_216 : memref<1x128x64xf32, #tpu.memory_space<vmem>> -> memref<128x64xf32, #tpu.memory_space<vmem>>
        %get3A_218 = arith.index_cast %add3A_214 : i32 to index
        %get3A_219 = arith.constant 0 : index
        %get3A_220 = tpu.vector_load %get3A_217[%get3A_218, %get3A_219] {strides = array<i32>} : memref<128x64xf32, #tpu.memory_space<vmem>>, vector<1x16xf32>,
        %get3A_221 = vector.shape_cast %get3A_220 : vector<1x16xf32> to vector<16xf32>
        %add3A_222 = arith.addf %scan3A_203, %get3A_221 : vector<16xf32>
        %add3A_223 = arith.constant 1 : i32
        %add3A_224 = arith.addi %add3A_214, %add3A_223 : i32
        %get3A_225 = arith.constant 0 : i32
        %get3A_226 = arith.constant 0 : i32
        %get3A_227 = tpu.memref_slice %arg6[%scan3A_151, %get3A_225, %get3A_226] : memref<4x128x64xf32, #tpu.memory_space<vmem>> -> memref<1x128x64xf32, #tpu.memory_space<vmem>>
        %get3A_228 = tpu.memref_squeeze %get3A_227 : memref<1x128x64xf32, #tpu.memory_space<vmem>> -> memref<128x64xf32, #tpu.memory_space<vmem>>
        %get3A_229 = arith.index_cast %add3A_224 : i32 to index
        %get3A_230 = arith.constant 0 : index
        %get3A_231 = tpu.vector_load %get3A_228[%get3A_229, %get3A_230] {strides = array<i32>} : memref<128x64xf32, #tpu.memory_space<vmem>>, vector<1x16xf32>,
        %get3A_232 = vector.shape_cast %get3A_231 : vector<1x16xf32> to vector<16xf32>
        %add3A_233 = arith.addf %scan3A_207, %get3A_232 : vector<16xf32>
        %get3A_234 = arith.constant 0 : i32
        %get3A_235 = arith.constant 0 : i32
        %get3A_236 = tpu.memref_slice %arg6[%scan3A_151, %get3A_234, %get3A_235] : memref<4x128x64xf32, #tpu.memory_space<vmem>> -> memref<1x128x64xf32, #tpu.memory_space<vmem>>
        %get3A_237 = tpu.memref_squeeze %get3A_236 : memref<1x128x64xf32, #tpu.memory_space<vmem>> -> memref<128x64xf32, #tpu.memory_space<vmem>>
        %get3A_238 = arith.index_cast %add3A_214 : i32 to index
        %get3A_239 = arith.constant 16 : index
        %get3A_240 = tpu.vector_load %get3A_237[%get3A_238, %get3A_239] {strides = array<i32>} : memref<128x64xf32, #tpu.memory_space<vmem>>, vector<1x16xf32>,
        %get3A_241 = vector.shape_cast %get3A_240 : vector<1x16xf32> to vector<16xf32>
        %add3A_242 = arith.addf %scan3A_204, %get3A_241 : vector<16xf32>
        %add3A_243 = arith.constant 1 : i32
        %add3A_244 = arith.addi %add3A_214, %add3A_243 : i32
        %get3A_245 = arith.constant 0 : i32
        %get3A_246 = arith.constant 0 : i32
        %get3A_247 = tpu.memref_slice %arg6[%scan3A_151, %get3A_245, %get3A_246] : memref<4x128x64xf32, #tpu.memory_space<vmem>> -> memref<1x128x64xf32, #tpu.memory_space<vmem>>
        %get3A_248 = tpu.memref_squeeze %get3A_247 : memref<1x128x64xf32, #tpu.memory_space<vmem>> -> memref<128x64xf32, #tpu.memory_space<vmem>>
        %get3A_249 = arith.index_cast %add3A_244 : i32 to index
        %get3A_250 = arith.constant 16 : index
        %get3A_251 = tpu.vector_load %get3A_248[%get3A_249, %get3A_250] {strides = array<i32>} : memref<128x64xf32, #tpu.memory_space<vmem>>, vector<1x16xf32>,
        %get3A_252 = vector.shape_cast %get3A_251 : vector<1x16xf32> to vector<16xf32>
        %add3A_253 = arith.addf %scan3A_208, %get3A_252 : vector<16xf32>
        %get3A_254 = arith.constant 0 : i32
        %get3A_255 = arith.constant 0 : i32
        %get3A_256 = tpu.memref_slice %arg6[%scan3A_151, %get3A_254, %get3A_255] : memref<4x128x64xf32, #tpu.memory_space<vmem>> -> memref<1x128x64xf32, #tpu.memory_space<vmem>>
        %get3A_257 = tpu.memref_squeeze %get3A_256 : memref<1x128x64xf32, #tpu.memory_space<vmem>> -> memref<128x64xf32, #tpu.memory_space<vmem>>
        %get3A_258 = arith.index_cast %add3A_214 : i32 to index
        %get3A_259 = arith.constant 32 : index
        %get3A_260 = tpu.vector_load %get3A_257[%get3A_258, %get3A_259] {strides = array<i32>} : memref<128x64xf32, #tpu.memory_space<vmem>>, vector<1x16xf32>,
        %get3A_261 = vector.shape_cast %get3A_260 : vector<1x16xf32> to vector<16xf32>
        %add3A_262 = arith.addf %scan3A_205, %get3A_261 : vector<16xf32>
        %add3A_263 = arith.constant 1 : i32
        %add3A_264 = arith.addi %add3A_214, %add3A_263 : i32
        %get3A_265 = arith.constant 0 : i32
        %get3A_266 = arith.constant 0 : i32
        %get3A_267 = tpu.memref_slice %arg6[%scan3A_151, %get3A_265, %get3A_266] : memref<4x128x64xf32, #tpu.memory_space<vmem>> -> memref<1x128x64xf32, #tpu.memory_space<vmem>>
        %get3A_268 = tpu.memref_squeeze %get3A_267 : memref<1x128x64xf32, #tpu.memory_space<vmem>> -> memref<128x64xf32, #tpu.memory_space<vmem>>
        %get3A_269 = arith.index_cast %add3A_264 : i32 to index
        %get3A_270 = arith.constant 32 : index
        %get3A_271 = tpu.vector_load %get3A_268[%get3A_269, %get3A_270] {strides = array<i32>} : memref<128x64xf32, #tpu.memory_space<vmem>>, vector<1x16xf32>,
        %get3A_272 = vector.shape_cast %get3A_271 : vector<1x16xf32> to vector<16xf32>
        %add3A_273 = arith.addf %scan3A_209, %get3A_272 : vector<16xf32>
        %get3A_274 = arith.constant 0 : i32
        %get3A_275 = arith.constant 0 : i32
        %get3A_276 = tpu.memref_slice %arg6[%scan3A_151, %get3A_274, %get3A_275] : memref<4x128x64xf32, #tpu.memory_space<vmem>> -> memref<1x128x64xf32, #tpu.memory_space<vmem>>
        %get3A_277 = tpu.memref_squeeze %get3A_276 : memref<1x128x64xf32, #tpu.memory_space<vmem>> -> memref<128x64xf32, #tpu.memory_space<vmem>>
        %get3A_278 = arith.index_cast %add3A_214 : i32 to index
        %get3A_279 = arith.constant 48 : index
        %get3A_280 = tpu.vector_load %get3A_277[%get3A_278, %get3A_279] {strides = array<i32>} : memref<128x64xf32, #tpu.memory_space<vmem>>, vector<1x16xf32>,
        %get3A_281 = vector.shape_cast %get3A_280 : vector<1x16xf32> to vector<16xf32>
        %add3A_282 = arith.addf %scan3A_206, %get3A_281 : vector<16xf32>
        %add3A_283 = arith.constant 1 : i32
        %add3A_284 = arith.addi %add3A_214, %add3A_283 : i32
        %get3A_285 = arith.constant 0 : i32
        %get3A_286 = arith.constant 0 : i32
        %get3A_287 = tpu.memref_slice %arg6[%scan3A_151, %get3A_285, %get3A_286] : memref<4x128x64xf32, #tpu.memory_space<vmem>> -> memref<1x128x64xf32, #tpu.memory_space<vmem>>
        %get3A_288 = tpu.memref_squeeze %get3A_287 : memref<1x128x64xf32, #tpu.memory_space<vmem>> -> memref<128x64xf32, #tpu.memory_space<vmem>>
        %get3A_289 = arith.index_cast %add3A_284 : i32 to index
        %get3A_290 = arith.constant 48 : index
        %get3A_291 = tpu.vector_load %get3A_288[%get3A_289, %get3A_290] {strides = array<i32>} : memref<128x64xf32, #tpu.memory_space<vmem>>, vector<1x16xf32>,
        %get3A_292 = vector.shape_cast %get3A_291 : vector<1x16xf32> to vector<16xf32>
        %add3A_293 = arith.addf %scan3A_210, %get3A_292 : vector<16xf32>
        %mul3A_294 = arith.constant 8 : i32
        %mul3A_295 = arith.muli %scan3A_202, %mul3A_294 : i32
        %add3A_296 = arith.constant 2 : i32
        %add3A_297 = arith.addi %mul3A_295, %add3A_296 : i32
        %get3A_298 = arith.constant 0 : i32
        %get3A_299 = arith.constant 0 : i32
        %get3A_300 = tpu.memref_slice %arg6[%scan3A_151, %get3A_298, %get3A_299] : memref<4x128x64xf32, #tpu.memory_space<vmem>> -> memref<1x128x64xf32, #tpu.memory_space<vmem>>
        %get3A_301 = tpu.memref_squeeze %get3A_300 : memref<1x128x64xf32, #tpu.memory_space<vmem>> -> memref<128x64xf32, #tpu.memory_space<vmem>>
        %get3A_302 = arith.index_cast %add3A_297 : i32 to index
        %get3A_303 = arith.constant 0 : index
        %get3A_304 = tpu.vector_load %get3A_301[%get3A_302, %get3A_303] {strides = array<i32>} : memref<128x64xf32, #tpu.memory_space<vmem>>, vector<1x16xf32>,
        %get3A_305 = vector.shape_cast %get3A_304 : vector<1x16xf32> to vector<16xf32>
        %add3A_306 = arith.addf %add3A_222, %get3A_305 : vector<16xf32>
        %add3A_307 = arith.constant 1 : i32
        %add3A_308 = arith.addi %add3A_297, %add3A_307 : i32
        %get3A_309 = arith.constant 0 : i32
        %get3A_310 = arith.constant 0 : i32
        %get3A_311 = tpu.memref_slice %arg6[%scan3A_151, %get3A_309, %get3A_310] : memref<4x128x64xf32, #tpu.memory_space<vmem>> -> memref<1x128x64xf32, #tpu.memory_space<vmem>>
        %get3A_312 = tpu.memref_squeeze %get3A_311 : memref<1x128x64xf32, #tpu.memory_space<vmem>> -> memref<128x64xf32, #tpu.memory_space<vmem>>
        %get3A_313 = arith.index_cast %add3A_308 : i32 to index
        %get3A_314 = arith.constant 0 : index
        %get3A_315 = tpu.vector_load %get3A_312[%get3A_313, %get3A_314] {strides = array<i32>} : memref<128x64xf32, #tpu.memory_space<vmem>>, vector<1x16xf32>,
        %get3A_316 = vector.shape_cast %get3A_315 : vector<1x16xf32> to vector<16xf32>
        %add3A_317 = arith.addf %add3A_233, %get3A_316 : vector<16xf32>
        %get3A_318 = arith.constant 0 : i32
        %get3A_319 = arith.constant 0 : i32
        %get3A_320 = tpu.memref_slice %arg6[%scan3A_151, %get3A_318, %get3A_319] : memref<4x128x64xf32, #tpu.memory_space<vmem>> -> memref<1x128x64xf32, #tpu.memory_space<vmem>>
        %get3A_321 = tpu.memref_squeeze %get3A_320 : memref<1x128x64xf32, #tpu.memory_space<vmem>> -> memref<128x64xf32, #tpu.memory_space<vmem>>
        %get3A_322 = arith.index_cast %add3A_297 : i32 to index
        %get3A_323 = arith.constant 16 : index
        %get3A_324 = tpu.vector_load %get3A_321[%get3A_322, %get3A_323] {strides = array<i32>} : memref<128x64xf32, #tpu.memory_space<vmem>>, vector<1x16xf32>,
        %get3A_325 = vector.shape_cast %get3A_324 : vector<1x16xf32> to vector<16xf32>
        %add3A_326 = arith.addf %add3A_242, %get3A_325 : vector<16xf32>
        %add3A_327 = arith.constant 1 : i32
        %add3A_328 = arith.addi %add3A_297, %add3A_327 : i32
        %get3A_329 = arith.constant 0 : i32
        %get3A_330 = arith.constant 0 : i32
        %get3A_331 = tpu.memref_slice %arg6[%scan3A_151, %get3A_329, %get3A_330] : memref<4x128x64xf32, #tpu.memory_space<vmem>> -> memref<1x128x64xf32, #tpu.memory_space<vmem>>
        %get3A_332 = tpu.memref_squeeze %get3A_331 : memref<1x128x64xf32, #tpu.memory_space<vmem>> -> memref<128x64xf32, #tpu.memory_space<vmem>>
        %get3A_333 = arith.index_cast %add3A_328 : i32 to index
        %get3A_334 = arith.constant 16 : index
        %get3A_335 = tpu.vector_load %get3A_332[%get3A_333, %get3A_334] {strides = array<i32>} : memref<128x64xf32, #tpu.memory_space<vmem>>, vector<1x16xf32>,
        %get3A_336 = vector.shape_cast %get3A_335 : vector<1x16xf32> to vector<16xf32>
        %add3A_337 = arith.addf %add3A_253, %get3A_336 : vector<16xf32>
        %get3A_338 = arith.constant 0 : i32
        %get3A_339 = arith.constant 0 : i32
        %get3A_340 = tpu.memref_slice %arg6[%scan3A_151, %get3A_338, %get3A_339] : memref<4x128x64xf32, #tpu.memory_space<vmem>> -> memref<1x128x64xf32, #tpu.memory_space<vmem>>
        %get3A_341 = tpu.memref_squeeze %get3A_340 : memref<1x128x64xf32, #tpu.memory_space<vmem>> -> memref<128x64xf32, #tpu.memory_space<vmem>>
        %get3A_342 = arith.index_cast %add3A_297 : i32 to index
        %get3A_343 = arith.constant 32 : index
        %get3A_344 = tpu.vector_load %get3A_341[%get3A_342, %get3A_343] {strides = array<i32>} : memref<128x64xf32, #tpu.memory_space<vmem>>, vector<1x16xf32>,
        %get3A_345 = vector.shape_cast %get3A_344 : vector<1x16xf32> to vector<16xf32>
        %add3A_346 = arith.addf %add3A_262, %get3A_345 : vector<16xf32>
        %add3A_347 = arith.constant 1 : i32
        %add3A_348 = arith.addi %add3A_297, %add3A_347 : i32
        %get3A_349 = arith.constant 0 : i32
        %get3A_350 = arith.constant 0 : i32
        %get3A_351 = tpu.memref_slice %arg6[%scan3A_151, %get3A_349, %get3A_350] : memref<4x128x64xf32, #tpu.memory_space<vmem>> -> memref<1x128x64xf32, #tpu.memory_space<vmem>>
        %get3A_352 = tpu.memref_squeeze %get3A_351 : memref<1x128x64xf32, #tpu.memory_space<vmem>> -> memref<128x64xf32, #tpu.memory_space<vmem>>
        %get3A_353 = arith.index_cast %add3A_348 : i32 to index
        %get3A_354 = arith.constant 32 : index
        %get3A_355 = tpu.vector_load %get3A_352[%get3A_353, %get3A_354] {strides = array<i32>} : memref<128x64xf32, #tpu.memory_space<vmem>>, vector<1x16xf32>,
        %get3A_356 = vector.shape_cast %get3A_355 : vector<1x16xf32> to vector<16xf32>
        %add3A_357 = arith.addf %add3A_273, %get3A_356 : vector<16xf32>
        %get3A_358 = arith.constant 0 : i32
        %get3A_359 = arith.constant 0 : i32
        %get3A_360 = tpu.memref_slice %arg6[%scan3A_151, %get3A_358, %get3A_359] : memref<4x128x64xf32, #tpu.memory_space<vmem>> -> memref<1x128x64xf32, #tpu.memory_space<vmem>>
        %get3A_361 = tpu.memref_squeeze %get3A_360 : memref<1x128x64xf32, #tpu.memory_space<vmem>> -> memref<128x64xf32, #tpu.memory_space<vmem>>
        %get3A_362 = arith.index_cast %add3A_297 : i32 to index
        %get3A_363 = arith.constant 48 : index
        %get3A_364 = tpu.vector_load %get3A_361[%get3A_362, %get3A_363] {strides = array<i32>} : memref<128x64xf32, #tpu.memory_space<vmem>>, vector<1x16xf32>,
        %get3A_365 = vector.shape_cast %get3A_364 : vector<1x16xf32> to vector<16xf32>
        %add3A_366 = arith.addf %add3A_282, %get3A_365 : vector<16xf32>
        %add3A_367 = arith.constant 1 : i32
        %add3A_368 = arith.addi %add3A_297, %add3A_367 : i32
        %get3A_369 = arith.constant 0 : i32
        %get3A_370 = arith.constant 0 : i32
        %get3A_371 = tpu.memref_slice %arg6[%scan3A_151, %get3A_369, %get3A_370] : memref<4x128x64xf32, #tpu.memory_space<vmem>> -> memref<1x128x64xf32, #tpu.memory_space<vmem>>
        %get3A_372 = tpu.memref_squeeze %get3A_371 : memref<1x128x64xf32, #tpu.memory_space<vmem>> -> memref<128x64xf32, #tpu.memory_space<vmem>>
        %get3A_373 = arith.index_cast %add3A_368 : i32 to index
        %get3A_374 = arith.constant 48 : index
        %get3A_375 = tpu.vector_load %get3A_372[%get3A_373, %get3A_374] {strides = array<i32>} : memref<128x64xf32, #tpu.memory_space<vmem>>, vector<1x16xf32>,
        %get3A_376 = vector.shape_cast %get3A_375 : vector<1x16xf32> to vector<16xf32>
        %add3A_377 = arith.addf %add3A_293, %get3A_376 : vector<16xf32>
        %mul3A_378 = arith.constant 8 : i32
        %mul3A_379 = arith.muli %scan3A_202, %mul3A_378 : i32
        %add3A_380 = arith.constant 4 : i32
        %add3A_381 = arith.addi %mul3A_379, %add3A_380 : i32
        %get3A_382 = arith.constant 0 : i32
        %get3A_383 = arith.constant 0 : i32
        %get3A_384 = tpu.memref_slice %arg6[%scan3A_151, %get3A_382, %get3A_383] : memref<4x128x64xf32, #tpu.memory_space<vmem>> -> memref<1x128x64xf32, #tpu.memory_space<vmem>>
        %get3A_385 = tpu.memref_squeeze %get3A_384 : memref<1x128x64xf32, #tpu.memory_space<vmem>> -> memref<128x64xf32, #tpu.memory_space<vmem>>
        %get3A_386 = arith.index_cast %add3A_381 : i32 to index
        %get3A_387 = arith.constant 0 : index
        %get3A_388 = tpu.vector_load %get3A_385[%get3A_386, %get3A_387] {strides = array<i32>} : memref<128x64xf32, #tpu.memory_space<vmem>>, vector<1x16xf32>,
        %get3A_389 = vector.shape_cast %get3A_388 : vector<1x16xf32> to vector<16xf32>
        %add3A_390 = arith.addf %add3A_306, %get3A_389 : vector<16xf32>
        %add3A_391 = arith.constant 1 : i32
        %add3A_392 = arith.addi %add3A_381, %add3A_391 : i32
        %get3A_393 = arith.constant 0 : i32
        %get3A_394 = arith.constant 0 : i32
        %get3A_395 = tpu.memref_slice %arg6[%scan3A_151, %get3A_393, %get3A_394] : memref<4x128x64xf32, #tpu.memory_space<vmem>> -> memref<1x128x64xf32, #tpu.memory_space<vmem>>
        %get3A_396 = tpu.memref_squeeze %get3A_395 : memref<1x128x64xf32, #tpu.memory_space<vmem>> -> memref<128x64xf32, #tpu.memory_space<vmem>>
        %get3A_397 = arith.index_cast %add3A_392 : i32 to index
        %get3A_398 = arith.constant 0 : index
        %get3A_399 = tpu.vector_load %get3A_396[%get3A_397, %get3A_398] {strides = array<i32>} : memref<128x64xf32, #tpu.memory_space<vmem>>, vector<1x16xf32>,
        %get3A_400 = vector.shape_cast %get3A_399 : vector<1x16xf32> to vector<16xf32>
        %add3A_401 = arith.addf %add3A_317, %get3A_400 : vector<16xf32>
        %get3A_402 = arith.constant 0 : i32
        %get3A_403 = arith.constant 0 : i32
        %get3A_404 = tpu.memref_slice %arg6[%scan3A_151, %get3A_402, %get3A_403] : memref<4x128x64xf32, #tpu.memory_space<vmem>> -> memref<1x128x64xf32, #tpu.memory_space<vmem>>
        %get3A_405 = tpu.memref_squeeze %get3A_404 : memref<1x128x64xf32, #tpu.memory_space<vmem>> -> memref<128x64xf32, #tpu.memory_space<vmem>>
        %get3A_406 = arith.index_cast %add3A_381 : i32 to index
        %get3A_407 = arith.constant 16 : index
        %get3A_408 = tpu.vector_load %get3A_405[%get3A_406, %get3A_407] {strides = array<i32>} : memref<128x64xf32, #tpu.memory_space<vmem>>, vector<1x16xf32>,
        %get3A_409 = vector.shape_cast %get3A_408 : vector<1x16xf32> to vector<16xf32>
        %add3A_410 = arith.addf %add3A_326, %get3A_409 : vector<16xf32>
        %add3A_411 = arith.constant 1 : i32
        %add3A_412 = arith.addi %add3A_381, %add3A_411 : i32
        %get3A_413 = arith.constant 0 : i32
        %get3A_414 = arith.constant 0 : i32
        %get3A_415 = tpu.memref_slice %arg6[%scan3A_151, %get3A_413, %get3A_414] : memref<4x128x64xf32, #tpu.memory_space<vmem>> -> memref<1x128x64xf32, #tpu.memory_space<vmem>>
        %get3A_416 = tpu.memref_squeeze %get3A_415 : memref<1x128x64xf32, #tpu.memory_space<vmem>> -> memref<128x64xf32, #tpu.memory_space<vmem>>
        %get3A_417 = arith.index_cast %add3A_412 : i32 to index
        %get3A_418 = arith.constant 16 : index
        %get3A_419 = tpu.vector_load %get3A_416[%get3A_417, %get3A_418] {strides = array<i32>} : memref<128x64xf32, #tpu.memory_space<vmem>>, vector<1x16xf32>,
        %get3A_420 = vector.shape_cast %get3A_419 : vector<1x16xf32> to vector<16xf32>
        %add3A_421 = arith.addf %add3A_337, %get3A_420 : vector<16xf32>
        %get3A_422 = arith.constant 0 : i32
        %get3A_423 = arith.constant 0 : i32
        %get3A_424 = tpu.memref_slice %arg6[%scan3A_151, %get3A_422, %get3A_423] : memref<4x128x64xf32, #tpu.memory_space<vmem>> -> memref<1x128x64xf32, #tpu.memory_space<vmem>>
        %get3A_425 = tpu.memref_squeeze %get3A_424 : memref<1x128x64xf32, #tpu.memory_space<vmem>> -> memref<128x64xf32, #tpu.memory_space<vmem>>
        %get3A_426 = arith.index_cast %add3A_381 : i32 to index
        %get3A_427 = arith.constant 32 : index
        %get3A_428 = tpu.vector_load %get3A_425[%get3A_426, %get3A_427] {strides = array<i32>} : memref<128x64xf32, #tpu.memory_space<vmem>>, vector<1x16xf32>,
        %get3A_429 = vector.shape_cast %get3A_428 : vector<1x16xf32> to vector<16xf32>
        %add3A_430 = arith.addf %add3A_346, %get3A_429 : vector<16xf32>
        %add3A_431 = arith.constant 1 : i32
        %add3A_432 = arith.addi %add3A_381, %add3A_431 : i32
        %get3A_433 = arith.constant 0 : i32
        %get3A_434 = arith.constant 0 : i32
        %get3A_435 = tpu.memref_slice %arg6[%scan3A_151, %get3A_433, %get3A_434] : memref<4x128x64xf32, #tpu.memory_space<vmem>> -> memref<1x128x64xf32, #tpu.memory_space<vmem>>
        %get3A_436 = tpu.memref_squeeze %get3A_435 : memref<1x128x64xf32, #tpu.memory_space<vmem>> -> memref<128x64xf32, #tpu.memory_space<vmem>>
        %get3A_437 = arith.index_cast %add3A_432 : i32 to index
        %get3A_438 = arith.constant 32 : index
        %get3A_439 = tpu.vector_load %get3A_436[%get3A_437, %get3A_438] {strides = array<i32>} : memref<128x64xf32, #tpu.memory_space<vmem>>, vector<1x16xf32>,
        %get3A_440 = vector.shape_cast %get3A_439 : vector<1x16xf32> to vector<16xf32>
        %add3A_441 = arith.addf %add3A_357, %get3A_440 : vector<16xf32>
        %get3A_442 = arith.constant 0 : i32
        %get3A_443 = arith.constant 0 : i32
        %get3A_444 = tpu.memref_slice %arg6[%scan3A_151, %get3A_442, %get3A_443] : memref<4x128x64xf32, #tpu.memory_space<vmem>> -> memref<1x128x64xf32, #tpu.memory_space<vmem>>
        %get3A_445 = tpu.memref_squeeze %get3A_444 : memref<1x128x64xf32, #tpu.memory_space<vmem>> -> memref<128x64xf32, #tpu.memory_space<vmem>>
        %get3A_446 = arith.index_cast %add3A_381 : i32 to index
        %get3A_447 = arith.constant 48 : index
        %get3A_448 = tpu.vector_load %get3A_445[%get3A_446, %get3A_447] {strides = array<i32>} : memref<128x64xf32, #tpu.memory_space<vmem>>, vector<1x16xf32>,
        %get3A_449 = vector.shape_cast %get3A_448 : vector<1x16xf32> to vector<16xf32>
        %add3A_450 = arith.addf %add3A_366, %get3A_449 : vector<16xf32>
        %add3A_451 = arith.constant 1 : i32
        %add3A_452 = arith.addi %add3A_381, %add3A_451 : i32
        %get3A_453 = arith.constant 0 : i32
        %get3A_454 = arith.constant 0 : i32
        %get3A_455 = tpu.memref_slice %arg6[%scan3A_151, %get3A_453, %get3A_454] : memref<4x128x64xf32, #tpu.memory_space<vmem>> -> memref<1x128x64xf32, #tpu.memory_space<vmem>>
        %get3A_456 = tpu.memref_squeeze %get3A_455 : memref<1x128x64xf32, #tpu.memory_space<vmem>> -> memref<128x64xf32, #tpu.memory_space<vmem>>
        %get3A_457 = arith.index_cast %add3A_452 : i32 to index
        %get3A_458 = arith.constant 48 : index
        %get3A_459 = tpu.vector_load %get3A_456[%get3A_457, %get3A_458] {strides = array<i32>} : memref<128x64xf32, #tpu.memory_space<vmem>>, vector<1x16xf32>,
        %get3A_460 = vector.shape_cast %get3A_459 : vector<1x16xf32> to vector<16xf32>
        %add3A_461 = arith.addf %add3A_377, %get3A_460 : vector<16xf32>
        %mul3A_462 = arith.constant 8 : i32
        %mul3A_463 = arith.muli %scan3A_202, %mul3A_462 : i32
        %add3A_464 = arith.constant 6 : i32
        %add3A_465 = arith.addi %mul3A_463, %add3A_464 : i32
        %get3A_466 = arith.constant 0 : i32
        %get3A_467 = arith.constant 0 : i32
        %get3A_468 = tpu.memref_slice %arg6[%scan3A_151, %get3A_466, %get3A_467] : memref<4x128x64xf32, #tpu.memory_space<vmem>> -> memref<1x128x64xf32, #tpu.memory_space<vmem>>
        %get3A_469 = tpu.memref_squeeze %get3A_468 : memref<1x128x64xf32, #tpu.memory_space<vmem>> -> memref<128x64xf32, #tpu.memory_space<vmem>>
        %get3A_470 = arith.index_cast %add3A_465 : i32 to index
        %get3A_471 = arith.constant 0 : index
        %get3A_472 = tpu.vector_load %get3A_469[%get3A_470, %get3A_471] {strides = array<i32>} : memref<128x64xf32, #tpu.memory_space<vmem>>, vector<1x16xf32>,
        %get3A_473 = vector.shape_cast %get3A_472 : vector<1x16xf32> to vector<16xf32>
        %add3A_474 = arith.addf %add3A_390, %get3A_473 : vector<16xf32>
        %add3A_475 = arith.constant 1 : i32
        %add3A_476 = arith.addi %add3A_465, %add3A_475 : i32
        %get3A_477 = arith.constant 0 : i32
        %get3A_478 = arith.constant 0 : i32
        %get3A_479 = tpu.memref_slice %arg6[%scan3A_151, %get3A_477, %get3A_478] : memref<4x128x64xf32, #tpu.memory_space<vmem>> -> memref<1x128x64xf32, #tpu.memory_space<vmem>>
        %get3A_480 = tpu.memref_squeeze %get3A_479 : memref<1x128x64xf32, #tpu.memory_space<vmem>> -> memref<128x64xf32, #tpu.memory_space<vmem>>
        %get3A_481 = arith.index_cast %add3A_476 : i32 to index
        %get3A_482 = arith.constant 0 : index
        %get3A_483 = tpu.vector_load %get3A_480[%get3A_481, %get3A_482] {strides = array<i32>} : memref<128x64xf32, #tpu.memory_space<vmem>>, vector<1x16xf32>,
        %get3A_484 = vector.shape_cast %get3A_483 : vector<1x16xf32> to vector<16xf32>
        %add3A_485 = arith.addf %add3A_401, %get3A_484 : vector<16xf32>
        %get3A_486 = arith.constant 0 : i32
        %get3A_487 = arith.constant 0 : i32
        %get3A_488 = tpu.memref_slice %arg6[%scan3A_151, %get3A_486, %get3A_487] : memref<4x128x64xf32, #tpu.memory_space<vmem>> -> memref<1x128x64xf32, #tpu.memory_space<vmem>>
        %get3A_489 = tpu.memref_squeeze %get3A_488 : memref<1x128x64xf32, #tpu.memory_space<vmem>> -> memref<128x64xf32, #tpu.memory_space<vmem>>
        %get3A_490 = arith.index_cast %add3A_465 : i32 to index
        %get3A_491 = arith.constant 16 : index
        %get3A_492 = tpu.vector_load %get3A_489[%get3A_490, %get3A_491] {strides = array<i32>} : memref<128x64xf32, #tpu.memory_space<vmem>>, vector<1x16xf32>,
        %get3A_493 = vector.shape_cast %get3A_492 : vector<1x16xf32> to vector<16xf32>
        %add3A_494 = arith.addf %add3A_410, %get3A_493 : vector<16xf32>
        %add3A_495 = arith.constant 1 : i32
        %add3A_496 = arith.addi %add3A_465, %add3A_495 : i32
        %get3A_497 = arith.constant 0 : i32
        %get3A_498 = arith.constant 0 : i32
        %get3A_499 = tpu.memref_slice %arg6[%scan3A_151, %get3A_497, %get3A_498] : memref<4x128x64xf32, #tpu.memory_space<vmem>> -> memref<1x128x64xf32, #tpu.memory_space<vmem>>
        %get3A_500 = tpu.memref_squeeze %get3A_499 : memref<1x128x64xf32, #tpu.memory_space<vmem>> -> memref<128x64xf32, #tpu.memory_space<vmem>>
        %get3A_501 = arith.index_cast %add3A_496 : i32 to index
        %get3A_502 = arith.constant 16 : index
        %get3A_503 = tpu.vector_load %get3A_500[%get3A_501, %get3A_502] {strides = array<i32>} : memref<128x64xf32, #tpu.memory_space<vmem>>, vector<1x16xf32>,
        %get3A_504 = vector.shape_cast %get3A_503 : vector<1x16xf32> to vector<16xf32>
        %add3A_505 = arith.addf %add3A_421, %get3A_504 : vector<16xf32>
        %get3A_506 = arith.constant 0 : i32
        %get3A_507 = arith.constant 0 : i32
        %get3A_508 = tpu.memref_slice %arg6[%scan3A_151, %get3A_506, %get3A_507] : memref<4x128x64xf32, #tpu.memory_space<vmem>> -> memref<1x128x64xf32, #tpu.memory_space<vmem>>
        %get3A_509 = tpu.memref_squeeze %get3A_508 : memref<1x128x64xf32, #tpu.memory_space<vmem>> -> memref<128x64xf32, #tpu.memory_space<vmem>>
        %get3A_510 = arith.index_cast %add3A_465 : i32 to index
        %get3A_511 = arith.constant 32 : index
        %get3A_512 = tpu.vector_load %get3A_509[%get3A_510, %get3A_511] {strides = array<i32>} : memref<128x64xf32, #tpu.memory_space<vmem>>, vector<1x16xf32>,
        %get3A_513 = vector.shape_cast %get3A_512 : vector<1x16xf32> to vector<16xf32>
        %add3A_514 = arith.addf %add3A_430, %get3A_513 : vector<16xf32>
        %add3A_515 = arith.constant 1 : i32
        %add3A_516 = arith.addi %add3A_465, %add3A_515 : i32
        %get3A_517 = arith.constant 0 : i32
        %get3A_518 = arith.constant 0 : i32
        %get3A_519 = tpu.memref_slice %arg6[%scan3A_151, %get3A_517, %get3A_518] : memref<4x128x64xf32, #tpu.memory_space<vmem>> -> memref<1x128x64xf32, #tpu.memory_space<vmem>>
        %get3A_520 = tpu.memref_squeeze %get3A_519 : memref<1x128x64xf32, #tpu.memory_space<vmem>> -> memref<128x64xf32, #tpu.memory_space<vmem>>
        %get3A_521 = arith.index_cast %add3A_516 : i32 to index
        %get3A_522 = arith.constant 32 : index
        %get3A_523 = tpu.vector_load %get3A_520[%get3A_521, %get3A_522] {strides = array<i32>} : memref<128x64xf32, #tpu.memory_space<vmem>>, vector<1x16xf32>,
        %get3A_524 = vector.shape_cast %get3A_523 : vector<1x16xf32> to vector<16xf32>
        %add3A_525 = arith.addf %add3A_441, %get3A_524 : vector<16xf32>
        %get3A_526 = arith.constant 0 : i32
        %get3A_527 = arith.constant 0 : i32
        %get3A_528 = tpu.memref_slice %arg6[%scan3A_151, %get3A_526, %get3A_527] : memref<4x128x64xf32, #tpu.memory_space<vmem>> -> memref<1x128x64xf32, #tpu.memory_space<vmem>>
        %get3A_529 = tpu.memref_squeeze %get3A_528 : memref<1x128x64xf32, #tpu.memory_space<vmem>> -> memref<128x64xf32, #tpu.memory_space<vmem>>
        %get3A_530 = arith.index_cast %add3A_465 : i32 to index
        %get3A_531 = arith.constant 48 : index
        %get3A_532 = tpu.vector_load %get3A_529[%get3A_530, %get3A_531] {strides = array<i32>} : memref<128x64xf32, #tpu.memory_space<vmem>>, vector<1x16xf32>,
        %get3A_533 = vector.shape_cast %get3A_532 : vector<1x16xf32> to vector<16xf32>
        %add3A_534 = arith.addf %add3A_450, %get3A_533 : vector<16xf32>
        %add3A_535 = arith.constant 1 : i32
        %add3A_536 = arith.addi %add3A_465, %add3A_535 : i32
        %get3A_537 = arith.constant 0 : i32
        %get3A_538 = arith.constant 0 : i32
        %get3A_539 = tpu.memref_slice %arg6[%scan3A_151, %get3A_537, %get3A_538] : memref<4x128x64xf32, #tpu.memory_space<vmem>> -> memref<1x128x64xf32, #tpu.memory_space<vmem>>
        %get3A_540 = tpu.memref_squeeze %get3A_539 : memref<1x128x64xf32, #tpu.memory_space<vmem>> -> memref<128x64xf32, #tpu.memory_space<vmem>>
        %get3A_541 = arith.index_cast %add3A_536 : i32 to index
        %get3A_542 = arith.constant 48 : index
        %get3A_543 = tpu.vector_load %get3A_540[%get3A_541, %get3A_542] {strides = array<i32>} : memref<128x64xf32, #tpu.memory_space<vmem>>, vector<1x16xf32>,
        %get3A_544 = vector.shape_cast %get3A_543 : vector<1x16xf32> to vector<16xf32>
        %add3A_545 = arith.addf %add3A_461, %get3A_544 : vector<16xf32>
        scf.yield %add3A_474, %add3A_494, %add3A_514, %add3A_534, %add3A_485, %add3A_505, %add3A_525, %add3A_545 : vector<16xf32>, vector<16xf32>, vector<16xf32>, vector<16xf32>, vector<16xf32>, vector<16xf32>, vector<16xf32>, vector<16xf32>
      }
      %scan3A_157 = arith.constant 16 : i32
      %add3A_158 = arith.addf %scan3A_156#0, %scan3A_156#4 : vector<16xf32>
      %add3A_159 = arith.addf %scan3A_156#1, %scan3A_156#5 : vector<16xf32>
      %add3A_160 = arith.addf %scan3A_156#2, %scan3A_156#6 : vector<16xf32>
      %add3A_161 = arith.addf %scan3A_156#3, %scan3A_156#7 : vector<16xf32>
      %add3A_162 = arith.constant 4 : i32
      %add3A_163 = arith.addi %add3A_139, %add3A_162 : i32
      %lt3A_164 = arith.constant 64 : i32
      %lt3A_165 = arith.cmpi slt, %add3A_163, %lt3A_164 : i32
      %convert_element_type3A_166 = arith.extui %lt3A_165 : i1 to i32
      %cond3A_167 = arith.constant 0 : i32
      %cond3A_168 = arith.cmpi ne, %convert_element_type3A_166, %cond3A_167 : i32
      scf.if %cond3A_168 {
        %add3A_202 = arith.constant 4 : i32
        %add3A_203 = arith.addi %add3A_139, %add3A_202 : i32
        %dma_start3A_204 = arith.constant 2 : i32
        %dma_start3A_205 = arith.constant 0 : i32
        %dma_start3A_206 = arith.constant 0 : i32
        %dma_start3A_207 = tpu.memref_slice %arg6[%dma_start3A_204, %dma_start3A_205, %dma_start3A_206] : memref<4x128x64xf32, #tpu.memory_space<vmem>> -> memref<1x128x64xf32, #tpu.memory_space<vmem>>
        %dma_start3A_208 = tpu.memref_squeeze %dma_start3A_207 : memref<1x128x64xf32, #tpu.memory_space<vmem>> -> memref<128x64xf32, #tpu.memory_space<vmem>>
        %dma_start3A_209 = arith.constant 0 : i32
        %dma_start3A_210 = tpu.memref_slice %arg5[%add3A_203, %dma_start3A_209] : memref<64x128xi32, #tpu.memory_space<vmem>> -> memref<1x128xi32, #tpu.memory_space<vmem>>
        %dma_start3A_211 = tpu.memref_squeeze %dma_start3A_210 : memref<1x128xi32, #tpu.memory_space<vmem>> -> memref<128xi32, #tpu.memory_space<vmem>>
        %dma_start3A_212 = arith.constant 0 : i32
        %dma_start3A_213 = arith.constant 0 : i32
        %dma_start3A_214 = tpu.memref_slice %arg3[%dma_start3A_212, %dma_start3A_213] : memref<1007616x64xf32, #tpu.memory_space<hbm>> -> memref<1007616x64xf32, #tpu.memory_space<hbm>>
        tpu.enqueue_indirect_dma source(%dma_start3A_214 : memref<1007616x64xf32, #tpu.memory_space<hbm>>) target(%dma_start3A_208 : memref<128x64xf32, #tpu.memory_space<vmem>>) offsets(%dma_start3A_211 : memref<128xi32, #tpu.memory_space<vmem>>) semaphore(%arg10 : memref<!tpu.dma_semaphore, #tpu.memory_space<semaphore_mem>>)
      } else {
      }
      %mul3A_169 = arith.constant 4 : i32
      %mul3A_170 = arith.muli %scan3A_69, %mul3A_169 : i32
      %add3A_171 = arith.constant 3 : i32
      %add3A_172 = arith.addi %mul3A_170, %add3A_171 : i32
      %dma_wait3A_173 = arith.constant 3 : i32
      %dma_wait3A_174 = arith.constant 0 : i32
      %dma_wait3A_175 = arith.constant 0 : i32
      %dma_wait3A_176 = tpu.memref_slice %arg6[%dma_wait3A_173, %dma_wait3A_174, %dma_wait3A_175] : memref<4x128x64xf32, #tpu.memory_space<vmem>> -> memref<1x128x64xf32, #tpu.memory_space<vmem>>
      %dma_wait3A_177 = tpu.memref_squeeze %dma_wait3A_176 : memref<1x128x64xf32, #tpu.memory_space<vmem>> -> memref<128x64xf32, #tpu.memory_space<vmem>>
      %dma_wait3A_178 = arith.constant 0 : i32
      %dma_wait3A_179 = tpu.memref_slice %arg5[%add3A_172, %dma_wait3A_178] : memref<64x128xi32, #tpu.memory_space<vmem>> -> memref<1x128xi32, #tpu.memory_space<vmem>>
      %dma_wait3A_180 = tpu.memref_squeeze %dma_wait3A_179 : memref<1x128xi32, #tpu.memory_space<vmem>> -> memref<128xi32, #tpu.memory_space<vmem>>
      %dma_wait3A_181 = arith.constant 0 : i32
      %dma_wait3A_182 = arith.constant 0 : i32
      %dma_wait3A_183 = tpu.memref_slice %arg3[%dma_wait3A_181, %dma_wait3A_182] : memref<1007616x64xf32, #tpu.memory_space<hbm>> -> memref<1007616x64xf32, #tpu.memory_space<hbm>>
      tpu.wait_indirect_dma semaphore(%arg11 : memref<!tpu.dma_semaphore, #tpu.memory_space<semaphore_mem>>) src(%dma_wait3A_183 : memref<1007616x64xf32, #tpu.memory_space<hbm>>) dst(%dma_wait3A_177 : memref<128x64xf32, #tpu.memory_space<vmem>>)
      %scan3A_184 = arith.constant 3 : i32
      %scan3A_185 = arith.constant 0 : i32
      %scan3A_186 = arith.constant 16 : i32
      %scan3A_187 = arith.addi %scan3A_185, %scan3A_186 : i32
      %scan3A_188 = arith.constant 1 : i32
      %scan3A_189:8 = scf.for %scan3A_202 = %scan3A_185 to %scan3A_187 step %scan3A_188 iter_args(%scan3A_203 = %add3A_158, %scan3A_204 = %add3A_159, %scan3A_205 = %add3A_160, %scan3A_206 = %add3A_161, %scan3A_207 = %broadcast_in_dim3A_48, %scan3A_208 = %broadcast_in_dim3A_48, %scan3A_209 = %broadcast_in_dim3A_48, %scan3A_210 = %broadcast_in_dim3A_48) -> (vector<16xf32>, vector<16xf32>, vector<16xf32>, vector<16xf32>, vector<16xf32>, vector<16xf32>, vector<16xf32>, vector<16xf32>)  : i32 {
        %mul3A_211 = arith.constant 8 : i32
        %mul3A_212 = arith.muli %scan3A_202, %mul3A_211 : i32
        %add3A_213 = arith.constant 0 : i32
        %add3A_214 = arith.addi %mul3A_212, %add3A_213 : i32
        %get3A = arith.constant 0 : i32
        %get3A_215 = arith.constant 0 : i32
        %get3A_216 = tpu.memref_slice %arg6[%scan3A_184, %get3A, %get3A_215] : memref<4x128x64xf32, #tpu.memory_space<vmem>> -> memref<1x128x64xf32, #tpu.memory_space<vmem>>
        %get3A_217 = tpu.memref_squeeze %get3A_216 : memref<1x128x64xf32, #tpu.memory_space<vmem>> -> memref<128x64xf32, #tpu.memory_space<vmem>>
        %get3A_218 = arith.index_cast %add3A_214 : i32 to index
        %get3A_219 = arith.constant 0 : index
        %get3A_220 = tpu.vector_load %get3A_217[%get3A_218, %get3A_219] {strides = array<i32>} : memref<128x64xf32, #tpu.memory_space<vmem>>, vector<1x16xf32>,
        %get3A_221 = vector.shape_cast %get3A_220 : vector<1x16xf32> to vector<16xf32>
        %add3A_222 = arith.addf %scan3A_203, %get3A_221 : vector<16xf32>
        %add3A_223 = arith.constant 1 : i32
        %add3A_224 = arith.addi %add3A_214, %add3A_223 : i32
        %get3A_225 = arith.constant 0 : i32
        %get3A_226 = arith.constant 0 : i32
        %get3A_227 = tpu.memref_slice %arg6[%scan3A_184, %get3A_225, %get3A_226] : memref<4x128x64xf32, #tpu.memory_space<vmem>> -> memref<1x128x64xf32, #tpu.memory_space<vmem>>
        %get3A_228 = tpu.memref_squeeze %get3A_227 : memref<1x128x64xf32, #tpu.memory_space<vmem>> -> memref<128x64xf32, #tpu.memory_space<vmem>>
        %get3A_229 = arith.index_cast %add3A_224 : i32 to index
        %get3A_230 = arith.constant 0 : index
        %get3A_231 = tpu.vector_load %get3A_228[%get3A_229, %get3A_230] {strides = array<i32>} : memref<128x64xf32, #tpu.memory_space<vmem>>, vector<1x16xf32>,
        %get3A_232 = vector.shape_cast %get3A_231 : vector<1x16xf32> to vector<16xf32>
        %add3A_233 = arith.addf %scan3A_207, %get3A_232 : vector<16xf32>
        %get3A_234 = arith.constant 0 : i32
        %get3A_235 = arith.constant 0 : i32
        %get3A_236 = tpu.memref_slice %arg6[%scan3A_184, %get3A_234, %get3A_235] : memref<4x128x64xf32, #tpu.memory_space<vmem>> -> memref<1x128x64xf32, #tpu.memory_space<vmem>>
        %get3A_237 = tpu.memref_squeeze %get3A_236 : memref<1x128x64xf32, #tpu.memory_space<vmem>> -> memref<128x64xf32, #tpu.memory_space<vmem>>
        %get3A_238 = arith.index_cast %add3A_214 : i32 to index
        %get3A_239 = arith.constant 16 : index
        %get3A_240 = tpu.vector_load %get3A_237[%get3A_238, %get3A_239] {strides = array<i32>} : memref<128x64xf32, #tpu.memory_space<vmem>>, vector<1x16xf32>,
        %get3A_241 = vector.shape_cast %get3A_240 : vector<1x16xf32> to vector<16xf32>
        %add3A_242 = arith.addf %scan3A_204, %get3A_241 : vector<16xf32>
        %add3A_243 = arith.constant 1 : i32
        %add3A_244 = arith.addi %add3A_214, %add3A_243 : i32
        %get3A_245 = arith.constant 0 : i32
        %get3A_246 = arith.constant 0 : i32
        %get3A_247 = tpu.memref_slice %arg6[%scan3A_184, %get3A_245, %get3A_246] : memref<4x128x64xf32, #tpu.memory_space<vmem>> -> memref<1x128x64xf32, #tpu.memory_space<vmem>>
        %get3A_248 = tpu.memref_squeeze %get3A_247 : memref<1x128x64xf32, #tpu.memory_space<vmem>> -> memref<128x64xf32, #tpu.memory_space<vmem>>
        %get3A_249 = arith.index_cast %add3A_244 : i32 to index
        %get3A_250 = arith.constant 16 : index
        %get3A_251 = tpu.vector_load %get3A_248[%get3A_249, %get3A_250] {strides = array<i32>} : memref<128x64xf32, #tpu.memory_space<vmem>>, vector<1x16xf32>,
        %get3A_252 = vector.shape_cast %get3A_251 : vector<1x16xf32> to vector<16xf32>
        %add3A_253 = arith.addf %scan3A_208, %get3A_252 : vector<16xf32>
        %get3A_254 = arith.constant 0 : i32
        %get3A_255 = arith.constant 0 : i32
        %get3A_256 = tpu.memref_slice %arg6[%scan3A_184, %get3A_254, %get3A_255] : memref<4x128x64xf32, #tpu.memory_space<vmem>> -> memref<1x128x64xf32, #tpu.memory_space<vmem>>
        %get3A_257 = tpu.memref_squeeze %get3A_256 : memref<1x128x64xf32, #tpu.memory_space<vmem>> -> memref<128x64xf32, #tpu.memory_space<vmem>>
        %get3A_258 = arith.index_cast %add3A_214 : i32 to index
        %get3A_259 = arith.constant 32 : index
        %get3A_260 = tpu.vector_load %get3A_257[%get3A_258, %get3A_259] {strides = array<i32>} : memref<128x64xf32, #tpu.memory_space<vmem>>, vector<1x16xf32>,
        %get3A_261 = vector.shape_cast %get3A_260 : vector<1x16xf32> to vector<16xf32>
        %add3A_262 = arith.addf %scan3A_205, %get3A_261 : vector<16xf32>
        %add3A_263 = arith.constant 1 : i32
        %add3A_264 = arith.addi %add3A_214, %add3A_263 : i32
        %get3A_265 = arith.constant 0 : i32
        %get3A_266 = arith.constant 0 : i32
        %get3A_267 = tpu.memref_slice %arg6[%scan3A_184, %get3A_265, %get3A_266] : memref<4x128x64xf32, #tpu.memory_space<vmem>> -> memref<1x128x64xf32, #tpu.memory_space<vmem>>
        %get3A_268 = tpu.memref_squeeze %get3A_267 : memref<1x128x64xf32, #tpu.memory_space<vmem>> -> memref<128x64xf32, #tpu.memory_space<vmem>>
        %get3A_269 = arith.index_cast %add3A_264 : i32 to index
        %get3A_270 = arith.constant 32 : index
        %get3A_271 = tpu.vector_load %get3A_268[%get3A_269, %get3A_270] {strides = array<i32>} : memref<128x64xf32, #tpu.memory_space<vmem>>, vector<1x16xf32>,
        %get3A_272 = vector.shape_cast %get3A_271 : vector<1x16xf32> to vector<16xf32>
        %add3A_273 = arith.addf %scan3A_209, %get3A_272 : vector<16xf32>
        %get3A_274 = arith.constant 0 : i32
        %get3A_275 = arith.constant 0 : i32
        %get3A_276 = tpu.memref_slice %arg6[%scan3A_184, %get3A_274, %get3A_275] : memref<4x128x64xf32, #tpu.memory_space<vmem>> -> memref<1x128x64xf32, #tpu.memory_space<vmem>>
        %get3A_277 = tpu.memref_squeeze %get3A_276 : memref<1x128x64xf32, #tpu.memory_space<vmem>> -> memref<128x64xf32, #tpu.memory_space<vmem>>
        %get3A_278 = arith.index_cast %add3A_214 : i32 to index
        %get3A_279 = arith.constant 48 : index
        %get3A_280 = tpu.vector_load %get3A_277[%get3A_278, %get3A_279] {strides = array<i32>} : memref<128x64xf32, #tpu.memory_space<vmem>>, vector<1x16xf32>,
        %get3A_281 = vector.shape_cast %get3A_280 : vector<1x16xf32> to vector<16xf32>
        %add3A_282 = arith.addf %scan3A_206, %get3A_281 : vector<16xf32>
        %add3A_283 = arith.constant 1 : i32
        %add3A_284 = arith.addi %add3A_214, %add3A_283 : i32
        %get3A_285 = arith.constant 0 : i32
        %get3A_286 = arith.constant 0 : i32
        %get3A_287 = tpu.memref_slice %arg6[%scan3A_184, %get3A_285, %get3A_286] : memref<4x128x64xf32, #tpu.memory_space<vmem>> -> memref<1x128x64xf32, #tpu.memory_space<vmem>>
        %get3A_288 = tpu.memref_squeeze %get3A_287 : memref<1x128x64xf32, #tpu.memory_space<vmem>> -> memref<128x64xf32, #tpu.memory_space<vmem>>
        %get3A_289 = arith.index_cast %add3A_284 : i32 to index
        %get3A_290 = arith.constant 48 : index
        %get3A_291 = tpu.vector_load %get3A_288[%get3A_289, %get3A_290] {strides = array<i32>} : memref<128x64xf32, #tpu.memory_space<vmem>>, vector<1x16xf32>,
        %get3A_292 = vector.shape_cast %get3A_291 : vector<1x16xf32> to vector<16xf32>
        %add3A_293 = arith.addf %scan3A_210, %get3A_292 : vector<16xf32>
        %mul3A_294 = arith.constant 8 : i32
        %mul3A_295 = arith.muli %scan3A_202, %mul3A_294 : i32
        %add3A_296 = arith.constant 2 : i32
        %add3A_297 = arith.addi %mul3A_295, %add3A_296 : i32
        %get3A_298 = arith.constant 0 : i32
        %get3A_299 = arith.constant 0 : i32
        %get3A_300 = tpu.memref_slice %arg6[%scan3A_184, %get3A_298, %get3A_299] : memref<4x128x64xf32, #tpu.memory_space<vmem>> -> memref<1x128x64xf32, #tpu.memory_space<vmem>>
        %get3A_301 = tpu.memref_squeeze %get3A_300 : memref<1x128x64xf32, #tpu.memory_space<vmem>> -> memref<128x64xf32, #tpu.memory_space<vmem>>
        %get3A_302 = arith.index_cast %add3A_297 : i32 to index
        %get3A_303 = arith.constant 0 : index
        %get3A_304 = tpu.vector_load %get3A_301[%get3A_302, %get3A_303] {strides = array<i32>} : memref<128x64xf32, #tpu.memory_space<vmem>>, vector<1x16xf32>,
        %get3A_305 = vector.shape_cast %get3A_304 : vector<1x16xf32> to vector<16xf32>
        %add3A_306 = arith.addf %add3A_222, %get3A_305 : vector<16xf32>
        %add3A_307 = arith.constant 1 : i32
        %add3A_308 = arith.addi %add3A_297, %add3A_307 : i32
        %get3A_309 = arith.constant 0 : i32
        %get3A_310 = arith.constant 0 : i32
        %get3A_311 = tpu.memref_slice %arg6[%scan3A_184, %get3A_309, %get3A_310] : memref<4x128x64xf32, #tpu.memory_space<vmem>> -> memref<1x128x64xf32, #tpu.memory_space<vmem>>
        %get3A_312 = tpu.memref_squeeze %get3A_311 : memref<1x128x64xf32, #tpu.memory_space<vmem>> -> memref<128x64xf32, #tpu.memory_space<vmem>>
        %get3A_313 = arith.index_cast %add3A_308 : i32 to index
        %get3A_314 = arith.constant 0 : index
        %get3A_315 = tpu.vector_load %get3A_312[%get3A_313, %get3A_314] {strides = array<i32>} : memref<128x64xf32, #tpu.memory_space<vmem>>, vector<1x16xf32>,
        %get3A_316 = vector.shape_cast %get3A_315 : vector<1x16xf32> to vector<16xf32>
        %add3A_317 = arith.addf %add3A_233, %get3A_316 : vector<16xf32>
        %get3A_318 = arith.constant 0 : i32
        %get3A_319 = arith.constant 0 : i32
        %get3A_320 = tpu.memref_slice %arg6[%scan3A_184, %get3A_318, %get3A_319] : memref<4x128x64xf32, #tpu.memory_space<vmem>> -> memref<1x128x64xf32, #tpu.memory_space<vmem>>
        %get3A_321 = tpu.memref_squeeze %get3A_320 : memref<1x128x64xf32, #tpu.memory_space<vmem>> -> memref<128x64xf32, #tpu.memory_space<vmem>>
        %get3A_322 = arith.index_cast %add3A_297 : i32 to index
        %get3A_323 = arith.constant 16 : index
        %get3A_324 = tpu.vector_load %get3A_321[%get3A_322, %get3A_323] {strides = array<i32>} : memref<128x64xf32, #tpu.memory_space<vmem>>, vector<1x16xf32>,
        %get3A_325 = vector.shape_cast %get3A_324 : vector<1x16xf32> to vector<16xf32>
        %add3A_326 = arith.addf %add3A_242, %get3A_325 : vector<16xf32>
        %add3A_327 = arith.constant 1 : i32
        %add3A_328 = arith.addi %add3A_297, %add3A_327 : i32
        %get3A_329 = arith.constant 0 : i32
        %get3A_330 = arith.constant 0 : i32
        %get3A_331 = tpu.memref_slice %arg6[%scan3A_184, %get3A_329, %get3A_330] : memref<4x128x64xf32, #tpu.memory_space<vmem>> -> memref<1x128x64xf32, #tpu.memory_space<vmem>>
        %get3A_332 = tpu.memref_squeeze %get3A_331 : memref<1x128x64xf32, #tpu.memory_space<vmem>> -> memref<128x64xf32, #tpu.memory_space<vmem>>
        %get3A_333 = arith.index_cast %add3A_328 : i32 to index
        %get3A_334 = arith.constant 16 : index
        %get3A_335 = tpu.vector_load %get3A_332[%get3A_333, %get3A_334] {strides = array<i32>} : memref<128x64xf32, #tpu.memory_space<vmem>>, vector<1x16xf32>,
        %get3A_336 = vector.shape_cast %get3A_335 : vector<1x16xf32> to vector<16xf32>
        %add3A_337 = arith.addf %add3A_253, %get3A_336 : vector<16xf32>
        %get3A_338 = arith.constant 0 : i32
        %get3A_339 = arith.constant 0 : i32
        %get3A_340 = tpu.memref_slice %arg6[%scan3A_184, %get3A_338, %get3A_339] : memref<4x128x64xf32, #tpu.memory_space<vmem>> -> memref<1x128x64xf32, #tpu.memory_space<vmem>>
        %get3A_341 = tpu.memref_squeeze %get3A_340 : memref<1x128x64xf32, #tpu.memory_space<vmem>> -> memref<128x64xf32, #tpu.memory_space<vmem>>
        %get3A_342 = arith.index_cast %add3A_297 : i32 to index
        %get3A_343 = arith.constant 32 : index
        %get3A_344 = tpu.vector_load %get3A_341[%get3A_342, %get3A_343] {strides = array<i32>} : memref<128x64xf32, #tpu.memory_space<vmem>>, vector<1x16xf32>,
        %get3A_345 = vector.shape_cast %get3A_344 : vector<1x16xf32> to vector<16xf32>
        %add3A_346 = arith.addf %add3A_262, %get3A_345 : vector<16xf32>
        %add3A_347 = arith.constant 1 : i32
        %add3A_348 = arith.addi %add3A_297, %add3A_347 : i32
        %get3A_349 = arith.constant 0 : i32
        %get3A_350 = arith.constant 0 : i32
        %get3A_351 = tpu.memref_slice %arg6[%scan3A_184, %get3A_349, %get3A_350] : memref<4x128x64xf32, #tpu.memory_space<vmem>> -> memref<1x128x64xf32, #tpu.memory_space<vmem>>
        %get3A_352 = tpu.memref_squeeze %get3A_351 : memref<1x128x64xf32, #tpu.memory_space<vmem>> -> memref<128x64xf32, #tpu.memory_space<vmem>>
        %get3A_353 = arith.index_cast %add3A_348 : i32 to index
        %get3A_354 = arith.constant 32 : index
        %get3A_355 = tpu.vector_load %get3A_352[%get3A_353, %get3A_354] {strides = array<i32>} : memref<128x64xf32, #tpu.memory_space<vmem>>, vector<1x16xf32>,
        %get3A_356 = vector.shape_cast %get3A_355 : vector<1x16xf32> to vector<16xf32>
        %add3A_357 = arith.addf %add3A_273, %get3A_356 : vector<16xf32>
        %get3A_358 = arith.constant 0 : i32
        %get3A_359 = arith.constant 0 : i32
        %get3A_360 = tpu.memref_slice %arg6[%scan3A_184, %get3A_358, %get3A_359] : memref<4x128x64xf32, #tpu.memory_space<vmem>> -> memref<1x128x64xf32, #tpu.memory_space<vmem>>
        %get3A_361 = tpu.memref_squeeze %get3A_360 : memref<1x128x64xf32, #tpu.memory_space<vmem>> -> memref<128x64xf32, #tpu.memory_space<vmem>>
        %get3A_362 = arith.index_cast %add3A_297 : i32 to index
        %get3A_363 = arith.constant 48 : index
        %get3A_364 = tpu.vector_load %get3A_361[%get3A_362, %get3A_363] {strides = array<i32>} : memref<128x64xf32, #tpu.memory_space<vmem>>, vector<1x16xf32>,
        %get3A_365 = vector.shape_cast %get3A_364 : vector<1x16xf32> to vector<16xf32>
        %add3A_366 = arith.addf %add3A_282, %get3A_365 : vector<16xf32>
        %add3A_367 = arith.constant 1 : i32
        %add3A_368 = arith.addi %add3A_297, %add3A_367 : i32
        %get3A_369 = arith.constant 0 : i32
        %get3A_370 = arith.constant 0 : i32
        %get3A_371 = tpu.memref_slice %arg6[%scan3A_184, %get3A_369, %get3A_370] : memref<4x128x64xf32, #tpu.memory_space<vmem>> -> memref<1x128x64xf32, #tpu.memory_space<vmem>>
        %get3A_372 = tpu.memref_squeeze %get3A_371 : memref<1x128x64xf32, #tpu.memory_space<vmem>> -> memref<128x64xf32, #tpu.memory_space<vmem>>
        %get3A_373 = arith.index_cast %add3A_368 : i32 to index
        %get3A_374 = arith.constant 48 : index
        %get3A_375 = tpu.vector_load %get3A_372[%get3A_373, %get3A_374] {strides = array<i32>} : memref<128x64xf32, #tpu.memory_space<vmem>>, vector<1x16xf32>,
        %get3A_376 = vector.shape_cast %get3A_375 : vector<1x16xf32> to vector<16xf32>
        %add3A_377 = arith.addf %add3A_293, %get3A_376 : vector<16xf32>
        %mul3A_378 = arith.constant 8 : i32
        %mul3A_379 = arith.muli %scan3A_202, %mul3A_378 : i32
        %add3A_380 = arith.constant 4 : i32
        %add3A_381 = arith.addi %mul3A_379, %add3A_380 : i32
        %get3A_382 = arith.constant 0 : i32
        %get3A_383 = arith.constant 0 : i32
        %get3A_384 = tpu.memref_slice %arg6[%scan3A_184, %get3A_382, %get3A_383] : memref<4x128x64xf32, #tpu.memory_space<vmem>> -> memref<1x128x64xf32, #tpu.memory_space<vmem>>
        %get3A_385 = tpu.memref_squeeze %get3A_384 : memref<1x128x64xf32, #tpu.memory_space<vmem>> -> memref<128x64xf32, #tpu.memory_space<vmem>>
        %get3A_386 = arith.index_cast %add3A_381 : i32 to index
        %get3A_387 = arith.constant 0 : index
        %get3A_388 = tpu.vector_load %get3A_385[%get3A_386, %get3A_387] {strides = array<i32>} : memref<128x64xf32, #tpu.memory_space<vmem>>, vector<1x16xf32>,
        %get3A_389 = vector.shape_cast %get3A_388 : vector<1x16xf32> to vector<16xf32>
        %add3A_390 = arith.addf %add3A_306, %get3A_389 : vector<16xf32>
        %add3A_391 = arith.constant 1 : i32
        %add3A_392 = arith.addi %add3A_381, %add3A_391 : i32
        %get3A_393 = arith.constant 0 : i32
        %get3A_394 = arith.constant 0 : i32
        %get3A_395 = tpu.memref_slice %arg6[%scan3A_184, %get3A_393, %get3A_394] : memref<4x128x64xf32, #tpu.memory_space<vmem>> -> memref<1x128x64xf32, #tpu.memory_space<vmem>>
        %get3A_396 = tpu.memref_squeeze %get3A_395 : memref<1x128x64xf32, #tpu.memory_space<vmem>> -> memref<128x64xf32, #tpu.memory_space<vmem>>
        %get3A_397 = arith.index_cast %add3A_392 : i32 to index
        %get3A_398 = arith.constant 0 : index
        %get3A_399 = tpu.vector_load %get3A_396[%get3A_397, %get3A_398] {strides = array<i32>} : memref<128x64xf32, #tpu.memory_space<vmem>>, vector<1x16xf32>,
        %get3A_400 = vector.shape_cast %get3A_399 : vector<1x16xf32> to vector<16xf32>
        %add3A_401 = arith.addf %add3A_317, %get3A_400 : vector<16xf32>
        %get3A_402 = arith.constant 0 : i32
        %get3A_403 = arith.constant 0 : i32
        %get3A_404 = tpu.memref_slice %arg6[%scan3A_184, %get3A_402, %get3A_403] : memref<4x128x64xf32, #tpu.memory_space<vmem>> -> memref<1x128x64xf32, #tpu.memory_space<vmem>>
        %get3A_405 = tpu.memref_squeeze %get3A_404 : memref<1x128x64xf32, #tpu.memory_space<vmem>> -> memref<128x64xf32, #tpu.memory_space<vmem>>
        %get3A_406 = arith.index_cast %add3A_381 : i32 to index
        %get3A_407 = arith.constant 16 : index
        %get3A_408 = tpu.vector_load %get3A_405[%get3A_406, %get3A_407] {strides = array<i32>} : memref<128x64xf32, #tpu.memory_space<vmem>>, vector<1x16xf32>,
        %get3A_409 = vector.shape_cast %get3A_408 : vector<1x16xf32> to vector<16xf32>
        %add3A_410 = arith.addf %add3A_326, %get3A_409 : vector<16xf32>
        %add3A_411 = arith.constant 1 : i32
        %add3A_412 = arith.addi %add3A_381, %add3A_411 : i32
        %get3A_413 = arith.constant 0 : i32
        %get3A_414 = arith.constant 0 : i32
        %get3A_415 = tpu.memref_slice %arg6[%scan3A_184, %get3A_413, %get3A_414] : memref<4x128x64xf32, #tpu.memory_space<vmem>> -> memref<1x128x64xf32, #tpu.memory_space<vmem>>
        %get3A_416 = tpu.memref_squeeze %get3A_415 : memref<1x128x64xf32, #tpu.memory_space<vmem>> -> memref<128x64xf32, #tpu.memory_space<vmem>>
        %get3A_417 = arith.index_cast %add3A_412 : i32 to index
        %get3A_418 = arith.constant 16 : index
        %get3A_419 = tpu.vector_load %get3A_416[%get3A_417, %get3A_418] {strides = array<i32>} : memref<128x64xf32, #tpu.memory_space<vmem>>, vector<1x16xf32>,
        %get3A_420 = vector.shape_cast %get3A_419 : vector<1x16xf32> to vector<16xf32>
        %add3A_421 = arith.addf %add3A_337, %get3A_420 : vector<16xf32>
        %get3A_422 = arith.constant 0 : i32
        %get3A_423 = arith.constant 0 : i32
        %get3A_424 = tpu.memref_slice %arg6[%scan3A_184, %get3A_422, %get3A_423] : memref<4x128x64xf32, #tpu.memory_space<vmem>> -> memref<1x128x64xf32, #tpu.memory_space<vmem>>
        %get3A_425 = tpu.memref_squeeze %get3A_424 : memref<1x128x64xf32, #tpu.memory_space<vmem>> -> memref<128x64xf32, #tpu.memory_space<vmem>>
        %get3A_426 = arith.index_cast %add3A_381 : i32 to index
        %get3A_427 = arith.constant 32 : index
        %get3A_428 = tpu.vector_load %get3A_425[%get3A_426, %get3A_427] {strides = array<i32>} : memref<128x64xf32, #tpu.memory_space<vmem>>, vector<1x16xf32>,
        %get3A_429 = vector.shape_cast %get3A_428 : vector<1x16xf32> to vector<16xf32>
        %add3A_430 = arith.addf %add3A_346, %get3A_429 : vector<16xf32>
        %add3A_431 = arith.constant 1 : i32
        %add3A_432 = arith.addi %add3A_381, %add3A_431 : i32
        %get3A_433 = arith.constant 0 : i32
        %get3A_434 = arith.constant 0 : i32
        %get3A_435 = tpu.memref_slice %arg6[%scan3A_184, %get3A_433, %get3A_434] : memref<4x128x64xf32, #tpu.memory_space<vmem>> -> memref<1x128x64xf32, #tpu.memory_space<vmem>>
        %get3A_436 = tpu.memref_squeeze %get3A_435 : memref<1x128x64xf32, #tpu.memory_space<vmem>> -> memref<128x64xf32, #tpu.memory_space<vmem>>
        %get3A_437 = arith.index_cast %add3A_432 : i32 to index
        %get3A_438 = arith.constant 32 : index
        %get3A_439 = tpu.vector_load %get3A_436[%get3A_437, %get3A_438] {strides = array<i32>} : memref<128x64xf32, #tpu.memory_space<vmem>>, vector<1x16xf32>,
        %get3A_440 = vector.shape_cast %get3A_439 : vector<1x16xf32> to vector<16xf32>
        %add3A_441 = arith.addf %add3A_357, %get3A_440 : vector<16xf32>
        %get3A_442 = arith.constant 0 : i32
        %get3A_443 = arith.constant 0 : i32
        %get3A_444 = tpu.memref_slice %arg6[%scan3A_184, %get3A_442, %get3A_443] : memref<4x128x64xf32, #tpu.memory_space<vmem>> -> memref<1x128x64xf32, #tpu.memory_space<vmem>>
        %get3A_445 = tpu.memref_squeeze %get3A_444 : memref<1x128x64xf32, #tpu.memory_space<vmem>> -> memref<128x64xf32, #tpu.memory_space<vmem>>
        %get3A_446 = arith.index_cast %add3A_381 : i32 to index
        %get3A_447 = arith.constant 48 : index
        %get3A_448 = tpu.vector_load %get3A_445[%get3A_446, %get3A_447] {strides = array<i32>} : memref<128x64xf32, #tpu.memory_space<vmem>>, vector<1x16xf32>,
        %get3A_449 = vector.shape_cast %get3A_448 : vector<1x16xf32> to vector<16xf32>
        %add3A_450 = arith.addf %add3A_366, %get3A_449 : vector<16xf32>
        %add3A_451 = arith.constant 1 : i32
        %add3A_452 = arith.addi %add3A_381, %add3A_451 : i32
        %get3A_453 = arith.constant 0 : i32
        %get3A_454 = arith.constant 0 : i32
        %get3A_455 = tpu.memref_slice %arg6[%scan3A_184, %get3A_453, %get3A_454] : memref<4x128x64xf32, #tpu.memory_space<vmem>> -> memref<1x128x64xf32, #tpu.memory_space<vmem>>
        %get3A_456 = tpu.memref_squeeze %get3A_455 : memref<1x128x64xf32, #tpu.memory_space<vmem>> -> memref<128x64xf32, #tpu.memory_space<vmem>>
        %get3A_457 = arith.index_cast %add3A_452 : i32 to index
        %get3A_458 = arith.constant 48 : index
        %get3A_459 = tpu.vector_load %get3A_456[%get3A_457, %get3A_458] {strides = array<i32>} : memref<128x64xf32, #tpu.memory_space<vmem>>, vector<1x16xf32>,
        %get3A_460 = vector.shape_cast %get3A_459 : vector<1x16xf32> to vector<16xf32>
        %add3A_461 = arith.addf %add3A_377, %get3A_460 : vector<16xf32>
        %mul3A_462 = arith.constant 8 : i32
        %mul3A_463 = arith.muli %scan3A_202, %mul3A_462 : i32
        %add3A_464 = arith.constant 6 : i32
        %add3A_465 = arith.addi %mul3A_463, %add3A_464 : i32
        %get3A_466 = arith.constant 0 : i32
        %get3A_467 = arith.constant 0 : i32
        %get3A_468 = tpu.memref_slice %arg6[%scan3A_184, %get3A_466, %get3A_467] : memref<4x128x64xf32, #tpu.memory_space<vmem>> -> memref<1x128x64xf32, #tpu.memory_space<vmem>>
        %get3A_469 = tpu.memref_squeeze %get3A_468 : memref<1x128x64xf32, #tpu.memory_space<vmem>> -> memref<128x64xf32, #tpu.memory_space<vmem>>
        %get3A_470 = arith.index_cast %add3A_465 : i32 to index
        %get3A_471 = arith.constant 0 : index
        %get3A_472 = tpu.vector_load %get3A_469[%get3A_470, %get3A_471] {strides = array<i32>} : memref<128x64xf32, #tpu.memory_space<vmem>>, vector<1x16xf32>,
        %get3A_473 = vector.shape_cast %get3A_472 : vector<1x16xf32> to vector<16xf32>
        %add3A_474 = arith.addf %add3A_390, %get3A_473 : vector<16xf32>
        %add3A_475 = arith.constant 1 : i32
        %add3A_476 = arith.addi %add3A_465, %add3A_475 : i32
        %get3A_477 = arith.constant 0 : i32
        %get3A_478 = arith.constant 0 : i32
        %get3A_479 = tpu.memref_slice %arg6[%scan3A_184, %get3A_477, %get3A_478] : memref<4x128x64xf32, #tpu.memory_space<vmem>> -> memref<1x128x64xf32, #tpu.memory_space<vmem>>
        %get3A_480 = tpu.memref_squeeze %get3A_479 : memref<1x128x64xf32, #tpu.memory_space<vmem>> -> memref<128x64xf32, #tpu.memory_space<vmem>>
        %get3A_481 = arith.index_cast %add3A_476 : i32 to index
        %get3A_482 = arith.constant 0 : index
        %get3A_483 = tpu.vector_load %get3A_480[%get3A_481, %get3A_482] {strides = array<i32>} : memref<128x64xf32, #tpu.memory_space<vmem>>, vector<1x16xf32>,
        %get3A_484 = vector.shape_cast %get3A_483 : vector<1x16xf32> to vector<16xf32>
        %add3A_485 = arith.addf %add3A_401, %get3A_484 : vector<16xf32>
        %get3A_486 = arith.constant 0 : i32
        %get3A_487 = arith.constant 0 : i32
        %get3A_488 = tpu.memref_slice %arg6[%scan3A_184, %get3A_486, %get3A_487] : memref<4x128x64xf32, #tpu.memory_space<vmem>> -> memref<1x128x64xf32, #tpu.memory_space<vmem>>
        %get3A_489 = tpu.memref_squeeze %get3A_488 : memref<1x128x64xf32, #tpu.memory_space<vmem>> -> memref<128x64xf32, #tpu.memory_space<vmem>>
        %get3A_490 = arith.index_cast %add3A_465 : i32 to index
        %get3A_491 = arith.constant 16 : index
        %get3A_492 = tpu.vector_load %get3A_489[%get3A_490, %get3A_491] {strides = array<i32>} : memref<128x64xf32, #tpu.memory_space<vmem>>, vector<1x16xf32>,
        %get3A_493 = vector.shape_cast %get3A_492 : vector<1x16xf32> to vector<16xf32>
        %add3A_494 = arith.addf %add3A_410, %get3A_493 : vector<16xf32>
        %add3A_495 = arith.constant 1 : i32
        %add3A_496 = arith.addi %add3A_465, %add3A_495 : i32
        %get3A_497 = arith.constant 0 : i32
        %get3A_498 = arith.constant 0 : i32
        %get3A_499 = tpu.memref_slice %arg6[%scan3A_184, %get3A_497, %get3A_498] : memref<4x128x64xf32, #tpu.memory_space<vmem>> -> memref<1x128x64xf32, #tpu.memory_space<vmem>>
        %get3A_500 = tpu.memref_squeeze %get3A_499 : memref<1x128x64xf32, #tpu.memory_space<vmem>> -> memref<128x64xf32, #tpu.memory_space<vmem>>
        %get3A_501 = arith.index_cast %add3A_496 : i32 to index
        %get3A_502 = arith.constant 16 : index
        %get3A_503 = tpu.vector_load %get3A_500[%get3A_501, %get3A_502] {strides = array<i32>} : memref<128x64xf32, #tpu.memory_space<vmem>>, vector<1x16xf32>,
        %get3A_504 = vector.shape_cast %get3A_503 : vector<1x16xf32> to vector<16xf32>
        %add3A_505 = arith.addf %add3A_421, %get3A_504 : vector<16xf32>
        %get3A_506 = arith.constant 0 : i32
        %get3A_507 = arith.constant 0 : i32
        %get3A_508 = tpu.memref_slice %arg6[%scan3A_184, %get3A_506, %get3A_507] : memref<4x128x64xf32, #tpu.memory_space<vmem>> -> memref<1x128x64xf32, #tpu.memory_space<vmem>>
        %get3A_509 = tpu.memref_squeeze %get3A_508 : memref<1x128x64xf32, #tpu.memory_space<vmem>> -> memref<128x64xf32, #tpu.memory_space<vmem>>
        %get3A_510 = arith.index_cast %add3A_465 : i32 to index
        %get3A_511 = arith.constant 32 : index
        %get3A_512 = tpu.vector_load %get3A_509[%get3A_510, %get3A_511] {strides = array<i32>} : memref<128x64xf32, #tpu.memory_space<vmem>>, vector<1x16xf32>,
        %get3A_513 = vector.shape_cast %get3A_512 : vector<1x16xf32> to vector<16xf32>
        %add3A_514 = arith.addf %add3A_430, %get3A_513 : vector<16xf32>
        %add3A_515 = arith.constant 1 : i32
        %add3A_516 = arith.addi %add3A_465, %add3A_515 : i32
        %get3A_517 = arith.constant 0 : i32
        %get3A_518 = arith.constant 0 : i32
        %get3A_519 = tpu.memref_slice %arg6[%scan3A_184, %get3A_517, %get3A_518] : memref<4x128x64xf32, #tpu.memory_space<vmem>> -> memref<1x128x64xf32, #tpu.memory_space<vmem>>
        %get3A_520 = tpu.memref_squeeze %get3A_519 : memref<1x128x64xf32, #tpu.memory_space<vmem>> -> memref<128x64xf32, #tpu.memory_space<vmem>>
        %get3A_521 = arith.index_cast %add3A_516 : i32 to index
        %get3A_522 = arith.constant 32 : index
        %get3A_523 = tpu.vector_load %get3A_520[%get3A_521, %get3A_522] {strides = array<i32>} : memref<128x64xf32, #tpu.memory_space<vmem>>, vector<1x16xf32>,
        %get3A_524 = vector.shape_cast %get3A_523 : vector<1x16xf32> to vector<16xf32>
        %add3A_525 = arith.addf %add3A_441, %get3A_524 : vector<16xf32>
        %get3A_526 = arith.constant 0 : i32
        %get3A_527 = arith.constant 0 : i32
        %get3A_528 = tpu.memref_slice %arg6[%scan3A_184, %get3A_526, %get3A_527] : memref<4x128x64xf32, #tpu.memory_space<vmem>> -> memref<1x128x64xf32, #tpu.memory_space<vmem>>
        %get3A_529 = tpu.memref_squeeze %get3A_528 : memref<1x128x64xf32, #tpu.memory_space<vmem>> -> memref<128x64xf32, #tpu.memory_space<vmem>>
        %get3A_530 = arith.index_cast %add3A_465 : i32 to index
        %get3A_531 = arith.constant 48 : index
        %get3A_532 = tpu.vector_load %get3A_529[%get3A_530, %get3A_531] {strides = array<i32>} : memref<128x64xf32, #tpu.memory_space<vmem>>, vector<1x16xf32>,
        %get3A_533 = vector.shape_cast %get3A_532 : vector<1x16xf32> to vector<16xf32>
        %add3A_534 = arith.addf %add3A_450, %get3A_533 : vector<16xf32>
        %add3A_535 = arith.constant 1 : i32
        %add3A_536 = arith.addi %add3A_465, %add3A_535 : i32
        %get3A_537 = arith.constant 0 : i32
        %get3A_538 = arith.constant 0 : i32
        %get3A_539 = tpu.memref_slice %arg6[%scan3A_184, %get3A_537, %get3A_538] : memref<4x128x64xf32, #tpu.memory_space<vmem>> -> memref<1x128x64xf32, #tpu.memory_space<vmem>>
        %get3A_540 = tpu.memref_squeeze %get3A_539 : memref<1x128x64xf32, #tpu.memory_space<vmem>> -> memref<128x64xf32, #tpu.memory_space<vmem>>
        %get3A_541 = arith.index_cast %add3A_536 : i32 to index
        %get3A_542 = arith.constant 48 : index
        %get3A_543 = tpu.vector_load %get3A_540[%get3A_541, %get3A_542] {strides = array<i32>} : memref<128x64xf32, #tpu.memory_space<vmem>>, vector<1x16xf32>,
        %get3A_544 = vector.shape_cast %get3A_543 : vector<1x16xf32> to vector<16xf32>
        %add3A_545 = arith.addf %add3A_461, %get3A_544 : vector<16xf32>
        scf.yield %add3A_474, %add3A_494, %add3A_514, %add3A_534, %add3A_485, %add3A_505, %add3A_525, %add3A_545 : vector<16xf32>, vector<16xf32>, vector<16xf32>, vector<16xf32>, vector<16xf32>, vector<16xf32>, vector<16xf32>, vector<16xf32>
      }
      %scan3A_190 = arith.constant 16 : i32
      %add3A_191 = arith.addf %scan3A_189#0, %scan3A_189#4 : vector<16xf32>
      %add3A_192 = arith.addf %scan3A_189#1, %scan3A_189#5 : vector<16xf32>
      %add3A_193 = arith.addf %scan3A_189#2, %scan3A_189#6 : vector<16xf32>
      %add3A_194 = arith.addf %scan3A_189#3, %scan3A_189#7 : vector<16xf32>
      %add3A_195 = arith.constant 4 : i32
      %add3A_196 = arith.addi %add3A_172, %add3A_195 : i32
      %lt3A_197 = arith.constant 64 : i32
      %lt3A_198 = arith.cmpi slt, %add3A_196, %lt3A_197 : i32
      %convert_element_type3A_199 = arith.extui %lt3A_198 : i1 to i32
      %cond3A_200 = arith.constant 0 : i32
      %cond3A_201 = arith.cmpi ne, %convert_element_type3A_199, %cond3A_200 : i32
      scf.if %cond3A_201 {
        %add3A_202 = arith.constant 4 : i32
        %add3A_203 = arith.addi %add3A_172, %add3A_202 : i32
        %dma_start3A_204 = arith.constant 3 : i32
        %dma_start3A_205 = arith.constant 0 : i32
        %dma_start3A_206 = arith.constant 0 : i32
        %dma_start3A_207 = tpu.memref_slice %arg6[%dma_start3A_204, %dma_start3A_205, %dma_start3A_206] : memref<4x128x64xf32, #tpu.memory_space<vmem>> -> memref<1x128x64xf32, #tpu.memory_space<vmem>>
        %dma_start3A_208 = tpu.memref_squeeze %dma_start3A_207 : memref<1x128x64xf32, #tpu.memory_space<vmem>> -> memref<128x64xf32, #tpu.memory_space<vmem>>
        %dma_start3A_209 = arith.constant 0 : i32
        %dma_start3A_210 = tpu.memref_slice %arg5[%add3A_203, %dma_start3A_209] : memref<64x128xi32, #tpu.memory_space<vmem>> -> memref<1x128xi32, #tpu.memory_space<vmem>>
        %dma_start3A_211 = tpu.memref_squeeze %dma_start3A_210 : memref<1x128xi32, #tpu.memory_space<vmem>> -> memref<128xi32, #tpu.memory_space<vmem>>
        %dma_start3A_212 = arith.constant 0 : i32
        %dma_start3A_213 = arith.constant 0 : i32
        %dma_start3A_214 = tpu.memref_slice %arg3[%dma_start3A_212, %dma_start3A_213] : memref<1007616x64xf32, #tpu.memory_space<hbm>> -> memref<1007616x64xf32, #tpu.memory_space<hbm>>
        tpu.enqueue_indirect_dma source(%dma_start3A_214 : memref<1007616x64xf32, #tpu.memory_space<hbm>>) target(%dma_start3A_208 : memref<128x64xf32, #tpu.memory_space<vmem>>) offsets(%dma_start3A_211 : memref<128xi32, #tpu.memory_space<vmem>>) semaphore(%arg11 : memref<!tpu.dma_semaphore, #tpu.memory_space<semaphore_mem>>)
      } else {
      }
      scf.yield %add3A_191, %add3A_192, %add3A_193, %add3A_194 : vector<16xf32>, vector<16xf32>, vector<16xf32>, vector<16xf32>
    }
    %scan3A_53 = arith.constant 16 : i32
    %swap3A = arith.constant 0 : index
    %swap3A_54 = tpu.vector_load %arg7[%swap3A] {strides = array<i32>} : memref<64xf32, #tpu.memory_space<vmem>>, vector<16xf32>,
    %swap3A_55 = vector.shape_cast %swap3A_54 : vector<16xf32> to vector<16xf32>
    %swap3A_56 = vector.shape_cast %scan3A_52#0 : vector<16xf32> to vector<16xf32>
    tpu.vector_store %arg7[%swap3A], %swap3A_56 {strides = array<i32>} : memref<64xf32, #tpu.memory_space<vmem>>, vector<16xf32>,
    %swap3A_57 = arith.constant 16 : index
    %swap3A_58 = tpu.vector_load %arg7[%swap3A_57] {strides = array<i32>} : memref<64xf32, #tpu.memory_space<vmem>>, vector<16xf32>,
    %swap3A_59 = vector.shape_cast %swap3A_58 : vector<16xf32> to vector<16xf32>
    %swap3A_60 = vector.shape_cast %scan3A_52#1 : vector<16xf32> to vector<16xf32>
    tpu.vector_store %arg7[%swap3A_57], %swap3A_60 {strides = array<i32>} : memref<64xf32, #tpu.memory_space<vmem>>, vector<16xf32>,
    %swap3A_61 = arith.constant 32 : index
    %swap3A_62 = tpu.vector_load %arg7[%swap3A_61] {strides = array<i32>} : memref<64xf32, #tpu.memory_space<vmem>>, vector<16xf32>,
    %swap3A_63 = vector.shape_cast %swap3A_62 : vector<16xf32> to vector<16xf32>
    %swap3A_64 = vector.shape_cast %scan3A_52#2 : vector<16xf32> to vector<16xf32>
    tpu.vector_store %arg7[%swap3A_61], %swap3A_64 {strides = array<i32>} : memref<64xf32, #tpu.memory_space<vmem>>, vector<16xf32>,
    %swap3A_65 = arith.constant 48 : index
    %swap3A_66 = tpu.vector_load %arg7[%swap3A_65] {strides = array<i32>} : memref<64xf32, #tpu.memory_space<vmem>>, vector<16xf32>,
    %swap3A_67 = vector.shape_cast %swap3A_66 : vector<16xf32> to vector<16xf32>
    %swap3A_68 = vector.shape_cast %scan3A_52#3 : vector<16xf32> to vector<16xf32>
    tpu.vector_store %arg7[%swap3A_65], %swap3A_68 {strides = array<i32>} : memref<64xf32, #tpu.memory_space<vmem>>, vector<16xf32>,
    "tpu.region"() ({
      %run_scoped3A = tpu.sem_alloc : memref<!tpu.dma_semaphore, #tpu.memory_space<semaphore_mem>>
      %dma_start3A_69 = arith.constant 0 : i32
      %dma_start3A_70 = tpu.memref_slice %arg4[%arg0, %arg1, %dma_start3A_69] : memref<2x16x64xf32, #tpu.memory_space<hbm>> -> memref<1x1x64xf32, #tpu.memory_space<hbm>>
      %dma_start3A_71 = tpu.memref_squeeze %dma_start3A_70 : memref<1x1x64xf32, #tpu.memory_space<hbm>> -> memref<64xf32, #tpu.memory_space<hbm>>
      %dma_start3A_72 = arith.constant 0 : i32
      %dma_start3A_73 = tpu.memref_slice %arg4[%arg0, %arg1, %dma_start3A_72] : memref<2x16x64xf32, #tpu.memory_space<hbm>> -> memref<1x1x64xf32, #tpu.memory_space<hbm>>
      %dma_start3A_74 = tpu.memref_squeeze %dma_start3A_73 : memref<1x1x64xf32, #tpu.memory_space<hbm>> -> memref<64xf32, #tpu.memory_space<hbm>>
      tpu.enqueue_dma source(%arg7 : memref<64xf32, #tpu.memory_space<vmem>>) target(%dma_start3A_74 : memref<64xf32, #tpu.memory_space<hbm>>) target_semaphore(%run_scoped3A : memref<!tpu.dma_semaphore, #tpu.memory_space<semaphore_mem>>)
      %dma_wait3A = arith.constant 0 : i32
      %dma_wait3A_75 = tpu.memref_slice %arg4[%arg0, %arg1, %dma_wait3A] : memref<2x16x64xf32, #tpu.memory_space<hbm>> -> memref<1x1x64xf32, #tpu.memory_space<hbm>>
      %dma_wait3A_76 = tpu.memref_squeeze %dma_wait3A_75 : memref<1x1x64xf32, #tpu.memory_space<hbm>> -> memref<64xf32, #tpu.memory_space<hbm>>
      %dma_wait3A_77 = arith.constant 0 : i32
      %dma_wait3A_78 = tpu.memref_slice %arg4[%arg0, %arg1, %dma_wait3A_77] : memref<2x16x64xf32, #tpu.memory_space<hbm>> -> memref<1x1x64xf32, #tpu.memory_space<hbm>>
      %dma_wait3A_79 = tpu.memref_squeeze %dma_wait3A_78 : memref<1x1x64xf32, #tpu.memory_space<hbm>> -> memref<64xf32, #tpu.memory_space<hbm>>
      tpu.wait_dma2 semaphore(%run_scoped3A : memref<!tpu.dma_semaphore, #tpu.memory_space<semaphore_mem>>) src(%arg7 : memref<64xf32, #tpu.memory_space<vmem>>) dst(%dma_wait3A_79 : memref<64xf32, #tpu.memory_space<hbm>>)
      tpu.yield
    }) : () -> ()
    return
  }
}

module attributes {stable_mosaic.version = 14 : i64} {
  func.func @body(%arg0: memref<2x16x64xf32, #tpu.memory_space<vmem>>, %arg1: memref<64x4xf32, #tpu.memory_space<vmem>>, %arg2: memref<1x4xf32, #tpu.memory_space<vmem>>, %arg3: memref<16x4xf32, #tpu.memory_space<vmem>>) attributes {dimension_semantics = [], scalar_prefetch = 0 : i64, scratch_operands = 0 : i64, tpu.core_type = #tpu.core_type<tc>} {
    %get3A = arith.constant 0 : index
    %get3A_0 = arith.constant 0 : index
    %get3A_1 = arith.constant 0 : index
    %get3A_2 = vector.load %arg0[%get3A, %get3A_0, %get3A_1] : memref<2x16x64xf32, #tpu.memory_space<vmem>>, vector<1x16x64xf32>
    %get3A_3 = vector.shape_cast %get3A_2 : vector<1x16x64xf32> to vector<16x64xf32>
    %get3A_4 = arith.constant 1 : index
    %get3A_5 = arith.constant 0 : index
    %get3A_6 = arith.constant 0 : index
    %get3A_7 = vector.load %arg0[%get3A_4, %get3A_5, %get3A_6] : memref<2x16x64xf32, #tpu.memory_space<vmem>>, vector<1x16x64xf32>
    %get3A_8 = vector.shape_cast %get3A_7 : vector<1x16x64xf32> to vector<16x64xf32>
    %add3A = arith.addf %get3A_3, %get3A_8 : vector<16x64xf32>
    %mul3A = arith.constant 6.10351563E-5 : f32
    %mul3A_9 = vector.broadcast %mul3A : f32 to vector<16x64xf32>
    %mul3A_10 = arith.mulf %add3A, %mul3A_9 : vector<16x64xf32>
    %get3A_11 = arith.constant 0 : index
    %get3A_12 = arith.constant 0 : index
    %get3A_13 = vector.load %arg1[%get3A_11, %get3A_12] : memref<64x4xf32, #tpu.memory_space<vmem>>, vector<64x4xf32>
    %dot_general3A = arith.constant dense<0.000000e+00> : vector<16x4xf32>
    %dot_general3A_14 = tpu.matmul %mul3A_10, %get3A_13, %dot_general3A {dimension_numbers = #tpu.dot_dimension_numbers<[1], [0], [0], [1], [0, 0, 1, 1], [], []>, transpose_lhs_hint = false} : vector<16x64xf32>, vector<64x4xf32>, vector<16x4xf32> -> vector<16x4xf32>
    %get3A_15 = arith.constant 0 : index
    %get3A_16 = arith.constant 0 : index
    %get3A_17 = vector.load %arg2[%get3A_15, %get3A_16] : memref<1x4xf32, #tpu.memory_space<vmem>>, vector<1x4xf32>
    %add3A_18 = vector.broadcast %get3A_17 : vector<1x4xf32> to vector<16x4xf32>
    %add3A_19 = arith.addf %dot_general3A_14, %add3A_18 : vector<16x4xf32>
    %swap3A = arith.constant 0 : index
    %swap3A_20 = arith.constant 0 : index
    %swap3A_21 = vector.load %arg3[%swap3A, %swap3A_20] : memref<16x4xf32, #tpu.memory_space<vmem>>, vector<16x4xf32>
    tpu.vector_store %arg3[%swap3A, %swap3A_20], %add3A_19 {strides = array<i32>} : memref<16x4xf32, #tpu.memory_space<vmem>>, vector<16x4xf32>,
    return
  }
}

module attributes {stable_mosaic.version = 14 : i64} {
  func.func @body(%arg0: i32, %arg1: memref<64x8192xf32, #tpu.memory_space<vmem>>, %arg2: memref<4096x128xf32, #tpu.memory_space<vmem>>) attributes {dimension_semantics = [#tpu.dimension_semantics<arbitrary>], iteration_bounds = array<i64: 123>, scalar_prefetch = 0 : i64, scratch_operands = 0 : i64, tpu.core_type = #tpu.core_type<tc>, window_params = [{transform_indices = @transform_0, window_bounds = array<i64: 64, 8192>}, {transform_indices = @transform_1, window_bounds = array<i64: 4096, 128>}]} {
    %get3A = arith.constant 0 : index
    %get3A_0 = arith.constant 0 : index
    %get3A_1 = vector.load %arg1[%get3A, %get3A_0] : memref<64x8192xf32, #tpu.memory_space<vmem>>, vector<64x8192xf32>
    %transpose3A = tpu.transpose %get3A_1, [1, 0] : vector<64x8192xf32> -> vector<8192x64xf32>
    %slice3A = vector.extract_strided_slice %transpose3A {offsets = [0, 0], sizes = [4096, 64], strides = [1, 1]} : vector<8192x64xf32> to vector<4096x64xf32>
    %slice3A_2 = vector.extract_strided_slice %transpose3A {offsets = [4096, 0], sizes = [4096, 64], strides = [1, 1]} : vector<8192x64xf32> to vector<4096x64xf32>
    %swap3A = arith.constant 0 : index
    %swap3A_3 = arith.constant 0 : index
    %swap3A_4 = vector.load %arg2[%swap3A, %swap3A_3] : memref<4096x128xf32, #tpu.memory_space<vmem>>, vector<4096x64xf32>
    tpu.vector_store %arg2[%swap3A, %swap3A_3], %slice3A {strides = array<i32>} : memref<4096x128xf32, #tpu.memory_space<vmem>>, vector<4096x64xf32>,
    %swap3A_5 = arith.constant 0 : index
    %swap3A_6 = arith.constant 64 : index
    %swap3A_7 = vector.load %arg2[%swap3A_5, %swap3A_6] : memref<4096x128xf32, #tpu.memory_space<vmem>>, vector<4096x64xf32>
    tpu.vector_store %arg2[%swap3A_5, %swap3A_6], %slice3A_2 {strides = array<i32>} : memref<4096x128xf32, #tpu.memory_space<vmem>>, vector<4096x64xf32>,
    return
  }
  func.func @transform_0(%arg0: i32) -> (i32, i32) {
    %c0_i32 = arith.constant 0 : i32
    %c0_i32_0 = arith.constant 0 : i32
    return %c0_i32, %arg0 : i32, i32
  }
  func.func @transform_1(%arg0: i32) -> (i32, i32) {
    %c0_i32 = arith.constant 0 : i32
    %c0_i32_0 = arith.constant 0 : i32
    return %arg0, %c0_i32 : i32, i32
  }
}

</mosaic_0001>

<sc_bundles>
// kernel: kernel.5.cloned.1.call-start
scs
__scs_entry_jumppad:
0x0: {  	(pc) =	sbr.rel $0x88, $3  }
0x1: {  	(tag) =	ssettag $0x0;
	lr =	simm.s32 $0x1  }
0x2: {  	[smem:$0x3F9D] =	sst lr;
	_ =	strace $0xD0000000  }
0x3: {  	_ = 	snop  }
0x4: {  	_ = 	snop  }
0x5: {  	_ = 	snop  }
0x6: {  	_ = 	snop  }
0x7: {  	_ = 	snop  }
__scs_overlays_trampoline_lowered:
0x8: {  	[smem:$0x3FAC] =	sst s0  }
0x9: {  	[smem:$0x3FAD] =	sst s1  }
0xa: {  	[smem:$0x3FAE] =	sst s2  }
0xb: {  	[smem:$0x3FAF] =	sst s3  }
0xc: {  	[smem:$0x3FB0] =	sst s4  }
0xd: {  	[smem:$0x3FB1] =	sst s5  }
0xe: {  	[smem:$0x3FB2] =	sst s6  }
0xf: {  	[smem:$0x3FB3] =	sst s7  }
0x10: {  	[smem:$0x3FB4] =	sst s8  }
0x11: {  	[smem:$0x3FB5] =	sst s9;
	s0 =	simm.s32 @!p0 $0x0  }
0x12: {  	s1 =	sld [smem:$0x3F9B];
	s0 =	simm.s32 @p0 $0x1  }
0x13: {  	[smem:$0x3FB6] =	sst s0;
	s0 =	simm.s32 @!p1 $0x0  }
0x14: {  	s2 =	sld [smem:$0x3F9A];
	s0 =	simm.s32 @p1 $0x1  }
0x15: {  	[smem:$0x3FB7] =	sst s0;
	s0 =	simm.s32 @!p2 $0x0  }
0x16: {  	s3 =	sld [smem:$0x3FDB];
	s0 =	simm.s32 @p2 $0x1  }
0x17: {  	s4 =	simm.s32 $0x1BF5;
	[smem:$0x3FB9] =	sst s0  }
0x18: {  	s0 =	sld [smem:$0x3F9C];
	_ =	swait.ge [sflag:s4], $0x0  }
0x19: {  	s7 =	sld [smem:$0x3F9D]  }
0x1a: {  	s8 =	sadd.s32 $0xFFFFE003, lr  }
0x1b: {  	s9 =	sadd.s32 $0xFFFFFEF7, lr;
	s5 =	simm.s32 $0xFFFFFFFF;
	p2 =	slt.u32 s8, $0xFFFFF086  }
0x1c: {  	p1 =	slt.u32 s9, $0xF7A;
	s5 =	simm.s32 @!p2 $0x0  }
0x1d: {  	s5 =	simm.s32 @p1 $0x1;
	p0 =	seq.s32 s7, s2  }
0x1e: {  	s7 =	smul.u32 @!p0 $0xF7A, s2;
	p2 =	seq.s32 @!p0 s5, $0x0  }
0x1f: {  	s9 =	smul.u32 $0xF7A, s1;
	s8 =	simm.s32 @!p0 $0x1BF5;
	p2 =	por !p2, p0  }
0x20: {  	[sflag:s8] =	ssyncset.s32 @!p0 $0xFFFFF086;
	s6 =	sadd.s32 @!p0 s3, s7;
	s7 =	simm.s32 @!p0 $0x108  }
0x21: {  	s3 =	sadd.s32 s3, s9;
	s6 =	sadd.s32 @!p0 $0x88, s6;
	s7 =	simm.s32 @p2 $0x1082  }
0x22: {  	[simem:s7], [sflag:s8] =	dma.local @!p0 [hbm:s6], $0xF7A  }
0x23: {  	s9 =	sor.u32 $0xD0000000, s2;
	s6 =	simm.s32 $0x108;
	_ =	swait.ge @!p0 [sflag:s8], $0x0  }
0x24: {  	s3 =	sadd.s32 $0x88, s3;
	s6 =	simm.s32 @!p1 $0x1082;
	[sflag:s4] =	ssyncset.s32 $0xFFFFF086  }
0x25: {  	[simem:s6], [sflag:s4] =	dma.local [hbm:s3], $0xF7A  }
0x26: {  	[smem:$0x3F9D] =	sst s1;
	(tag) =	ssettag s2;
	_ =	strace s9  }
0x27: {  	s1 =	sld [smem:$0x3FAD]  }
0x28: {  	s2 =	sld [smem:$0x3FAE]  }
0x29: {  	s4 =	sld [smem:$0x3FB0]  }
0x2a: {  	p0 =	seq.s32 s5, $0x0;
	s5 =	sld [smem:$0x3FB1]  }
0x2b: {  	s6 =	sld [smem:$0x3FB2]  }
0x2c: {  	s7 =	sld [smem:$0x3FB3]  }
0x2d: {  	s3 =	simm.s32 $0x108;
	s8 =	sld [smem:$0x3FB4]  }
0x2e: {  	s3 =	simm.s32 @!p0 $0x1082;
	s9 =	sld [smem:$0x3FB5]  }
0x2f: {  	lr =	sadd.s32 s0, s3;
	s0 =	sld [smem:$0x3FAC]  }
0x30: {  	s3 =	sld [smem:$0x3FAF]  }
0x31: {  	[smem:$0x3FB8] =	sst s10  }
0x32: {  	s10 =	sld [smem:$0x3FB6];
	_ =	sdelay $0x3  }
0x33: {  	p0 =	seq.s32 s10, $0x1;
	s10 =	sld [smem:$0x3FB8];
	_ =	sdelay $0x3  }
0x34: {  	[smem:$0x3FB8] =	sst s10  }
0x35: {  	s10 =	sld [smem:$0x3FB7];
	_ =	sdelay $0x3  }
0x36: {  	p1 =	seq.s32 s10, $0x1;
	s10 =	sld [smem:$0x3FB8];
	_ =	sdelay $0x3  }
0x37: {  	[smem:$0x3FB8] =	sst s10  }
0x38: {  	s10 =	sld [smem:$0x3FB9]  }
0x39: {  	_ = 	snop;
	(pc) =	sbr.ind lr, $3  }
0x3a: {  	_ = 	snop  }
0x3b: {  	_ = 	snop  }
0x3c: {  	p2 =	seq.s32 s10, $0x1;
	s10 =	sld [smem:$0x3FB8]  }
0x3d: {  	_ =	shalt  }
0x3e: {  	_ =	shalt  }
0x3f: {  	_ =	shalt  }
0x40: {  	_ =	shalt  }
0x41: {  	_ =	shalt  }
0x42: {  	_ =	shalt  }
0x43: {  	_ =	shalt  }
0x44: {  	_ =	shalt  }
0x45: {  	_ =	shalt  }
0x46: {  	_ =	shalt  }
0x47: {  	_ =	shalt  }
0x48: {  	_ =	shalt  }
0x49: {  	_ =	shalt  }
0x4a: {  	_ =	shalt  }
0x4b: {  	_ =	shalt  }
0x4c: {  	_ =	shalt  }
0x4d: {  	_ =	shalt  }
0x4e: {  	_ =	shalt  }
0x4f: {  	_ =	shalt  }
0x50: {  	_ =	shalt  }
0x51: {  	_ =	shalt  }
0x52: {  	_ =	shalt  }
0x53: {  	_ =	shalt  }
0x54: {  	_ =	shalt  }
0x55: {  	_ =	shalt  }
0x56: {  	_ =	shalt  }
0x57: {  	_ =	shalt  }
0x58: {  	_ =	shalt  }
0x59: {  	_ =	shalt  }
0x5a: {  	_ =	shalt  }
0x5b: {  	_ =	shalt  }
0x5c: {  	_ =	shalt  }
0x5d: {  	_ =	shalt  }
0x5e: {  	_ =	shalt  }
0x5f: {  	_ =	shalt  }
0x60: {  	_ =	shalt  }
0x61: {  	_ =	shalt  }
0x62: {  	_ =	shalt  }
0x63: {  	_ =	shalt  }
0x64: {  	_ =	shalt  }
0x65: {  	_ =	shalt  }
0x66: {  	_ =	shalt  }
0x67: {  	_ =	shalt  }
0x68: {  	_ =	shalt  }
0x69: {  	_ =	shalt  }
0x6a: {  	_ =	shalt  }
0x6b: {  	_ =	shalt  }
0x6c: {  	_ =	shalt  }
0x6d: {  	_ =	shalt  }
0x6e: {  	_ =	shalt  }
0x6f: {  	_ =	shalt  }
0x70: {  	_ =	shalt  }
0x71: {  	_ =	shalt  }
0x72: {  	_ =	shalt  }
0x73: {  	_ =	shalt  }
0x74: {  	_ =	shalt  }
0x75: {  	_ =	shalt  }
0x76: {  	_ =	shalt  }
0x77: {  	_ =	shalt  }
0x78: {  	_ =	shalt  }
0x79: {  	_ =	shalt  }
0x7a: {  	_ =	shalt  }
0x7b: {  	_ =	shalt  }
0x7c: {  	_ =	shalt  }
0x7d: {  	_ =	shalt  }
0x7e: {  	_ =	shalt  }
0x7f: {  	_ =	shalt  }
0x80: {  	_ =	shalt  }
0x81: {  	_ =	shalt  }
0x82: {  	_ =	shalt  }
0x83: {  	_ =	shalt  }
0x84: {  	_ =	shalt  }
0x85: {  	_ =	shalt  }
0x86: {  	_ =	shalt  }
0x87: {  	_ =	shalt  }
.Lfunc_end0:
.L_simem_size_0:
called_computation_lowered:
.L_overlay_start_0:
0x88: {  	s2 =	sld [smem:$0x3FD9]  }
0x89: {  	s3 =	sld [smem:$0x3FFE];
	_ =	sdelay $0x1  }
0x8a: {  	s1 =	srdreg.scid  }
0x8b: {  	s0 =	sand.u32 $0x1, s1  }
0x8c: {  	s16 =	sshll.u32 s0, $0xA;
	s2 =	sadd.s32 s3, s2  }
0x8d: {  	s2 =	sadd.s32 s2, s16  }
0x8e: {  	[smem:$0x3FC4] =	sst s2  }
0x8f: {  	_ = 	snop  }
0x90: {  	(tm) =	ssettm $0x1  }
0x91: {  	s17 =	sld [smem:$0x3FFB];
	_ =	sdelay $0x3  }
0x92: {  	_ =	strace s17  }
0x93: {  	s2 =	sld [smem:$0x3FFC];
	_ =	sdelay $0x3  }
0x94: {  	_ =	strace s2  }
0x95: {  	s2 =	sld [smem:$0x3FFD];
	_ =	sdelay $0x3  }
0x96: {  	_ =	strace s2  }
0x97: {  	_ =	strace $0x8FFFFFFF  }
0x98: {  	s18 =	sld [smem:$0x3FDB];
	_ =	sdelay $0x1  }
0x99: {  	s19 =	simm.s32 $_scs_section_size  }
0x9a: {  	s4 =	simm.s32 $_size__tile_overlayer_lowered;
	s5 =	simm.s32 $_tile_overlayer_lowered  }
0x9b: {  	s22 =	simm.s32 $0x1BFF;
	s21 =	sshll.u32 s5, $0x1;
	s2 =	sadd.s32 s19, s18  }
0x9c: {  	s6 =	simm.s32 $0x0;
	s20 =	sshll.u32 s4, $0x1;
	s4 =	sadd.s32 s21, s2  }
0x9d: {  	[timem:s6], [sflag:s22] =	dma.local [hbm:s4], s20  }
0x9e: {  	_ =	swait.ge [sflag:s22], s20  }
0x9f: {  	s3 =	ssub.s32 $0x0, s20;
	[sflag:s22] =	ssyncset.done $0x0  }
0xa0: {  	[sflag:s22] =	ssyncadd.s32 s3;
	_ =	sdelay $0x1  }
0xa1: {  	s23 =	simm.s32 $0x1B8B  }
0xa2: {  	_ =	swait.ge [sflag:s23], $0x1  }
0xa3: {  	[sflag:s23] =	ssyncset.done $0x0  }
0xa4: {  	s25 =	simm.s32 $0x1B8E;
	s24 =	sld [smem:$0x3FFE];
	[sflag:s23] =	ssyncadd.s32 $0xFFFFFFFF  }
0xa5: {  	s26 =	simm.s32 $execute0_lowered;
	[smem:$0x3FD2] =	sst s25  }
0xa6: {  	s4 =	sshll.u32 s26, $0x1;
	_ =	strace $0x80000046;
	[dreg:$0x1] =	wrdreg $0xFFFFFFFF  }
0xa7: {  	s28 =	simm.s32 $_size_execute0_lowered;
	s2 =	sadd.s32 s2, s4;
	[dreg:$0x0] =	wrdreg $0x0  }
0xa8: {  	s4 =	sshll.u32 s28, $0x1;
	[dreg:$0x2] =	wrdreg s2  }
0xa9: {  	[dreg:$0x3] =	wrdreg s4  }
0xaa: {  	[dreg:$0x4] =	wrdreg $0xC0  }
0xab: {  	_ =	task [dreg:s6], $0x5FFFF  }
0xac: {  	[dreg:$0x1] =	wrdreg $0xFFFFFFFF  }
0xad: {  	[dreg:$0x0] =	wrdreg $0x60  }
0xae: {  	[dreg:$0x2] =	wrdreg s24  }
0xaf: {  	[dreg:$0x3] =	wrdreg $0x9  }
0xb0: {  	_ =	task.clear_ibuf [dreg:s6], $0x4FFFF;
	_ =	strace $0x90000046  }
0xb1: {  	s29 =	simm.s32 $0x9;
	_ =	strace $0x80000048  }
0xb2: {  	_ =	swait.ge [sflag:s29], $0x1  }
0xb3: {  	[sflag:s29] =	ssyncadd.s32 $0xFFFFFFFF  }
0xb4: {  	_ =	strace $0x90000048  }
0xb5: {  	_ =	sfence  }
0xb6: {  	s30 =	sld [smem:$0x0];
	_ =	sdelay $0x2  }
0xb7: {  	s31 =	sshll.u32 s1, $0xD;
	s1 =	sshrl.u32 s1, $0x2  }
0xb8: {  	s3 =	sand.u32 $0x4000, s31;
	s1 =	sadd.s32 s1, s30  }
0xb9: {  	s0 =	sor.u32 s3, s0;
	s1 =	sshll.u32 s1, $0x11  }
0xba: {  	s0 =	sor.u32 s1, s0  }
0xbb: {  	s0 =	sadd.s32 $0x8F2B, s0  }
0xbc: {  	[sflag:s0] =	ssyncadd.remote.s32 $0x1  }
0xbd: {  	_ =	sfence.sel $0xFFFF  }
0xbe: {  	[dreg:$0x0] =	wrdreg $0xFFFFFFFF;
	(pc) =	sbr.abs _section_cstart, $3  }
0xbf: {  	[dreg:$0x1] =	wrdreg $0xFFFFFFFF  }
0xc0: {  	_ =	task.clear_ibuf [dreg:s6], $0x2FFFF;
	_ =	strace $0x9FFFFFFF  }
0xc1: {  	(tm) =	ssettm $0x7FFFFFFF  }
tec
execute0_lowered:
.L_overlay_start_1:
0x0: {  	(tag) =	ssettag $0x1  }
0x1: {  	s4 =	rddreg [dreg:$0x0]  }
0x2: {  	s0 =	rddreg [dreg:$0x1]  }
0x3: {  	s2 =	simm.s32 $0x0;
	s1 =	srdreg.scid;
	s10 =	simm.s32 $0x4000  }
0x4: {  	s11 =	simm.s32 $0x100;
	s12 =	simm.s32 $0x6000;
	s13 =	simm.s32 $0x180  }
0x5: {  	s14 =	simm.s32 $0x8000;
	s15 =	simm.s32 $0x1;
	s16 =	simm.s32 $0x2  }
0x6: {  	s17 =	simm.s32 $0x3;
	s18 =	simm.s32 $0x4;
	s19 =	simm.s32 $0xA000  }
0x7: {  	s20 =	simm.s32 $0x0;
	[smem:$0x7FF] =	sst s2;
	s5 =	sand.u32 $0x1, s1  }
0x8: {  	s1 =	stileid.u32;
	_ =	strace $0x80000047;
	s3 =	sshll.u32 s5, $0xA  }
0x9: {  	s6 =	sshll.u32 s1, $0x3;
	s31 =	ssub.s32 $0x2, s5;
	s8 =	sshll.u32 s1, $0xB  }
.Ltmp0:
0xa: {  	s5 =	sshll.u32 s5, $0x7;
	s7 =	sadd.s32 s3, s4;
	(pc) =	sbr.rel .LBB2_1-.Ltmp0, $4  }
0xb: {  	s3 =	sadd.s32 $0xA00, s4;
	s4 =	sadd.s32 s6, s4;
	s9 =	sshrl.u32 s31, $0x1  }
0xc: {  	s7 =	sadd.s32 s8, s7;
	s5 =	sadd.s32 s5, s4;
	s6 =	ssub.s32 s31, s9  }
0xd: {  	s8 =	simm.s32 $0x80;
	s9 =	simm.s32 $0x2000;
	s4 =	sadd.s32 $0x7B0A00, s7  }
0xe: {  	v0 =	vimm.f32 $0.0e+00;
	s5 =	sadd.s32 $0x7B8A00, s5;
	s6 =	smax.u32 s6, $0x1;
	s7 =	simm.s32 $0x5  }
.LBB2_12:
0xf: {  	[tilespmem:$0xA000] =	vst v3  }
0x10: {  	[tilespmem:$0xA010] =	vst v1;
	s20 =	sadd.s32 $0x1, s20  }
0x11: {  	[tilespmem:$0xA020] =	vst v7;
	p0 =	sne.s32 s20, s6  }
.Ltmp1:
0x12: {  	[tilespmem:$0xA030] =	vst v5;
	(pc) =	sbr.rel @!p0 .LBB2_13-.Ltmp1, $4  }
0x13: {  	[hbm4b:s5+s2] =	stream.linear.scatter [tilespmem:s19], [sflag:$0x5], $0x40, $0x38;
	[tilespmem:$0xA040] =	vst v63  }
0x14: {  	_ =	swait.ge [sflag:s7], $0x40  }
0x15: {  	[sflag:s7] =	ssyncset.done $0x0  }
0x16: {  	[sflag:s7] =	ssyncadd.s32 $0xFFFFFFC0  }
.LBB2_1:
0x17: {  	[tilespmem:s2], [sflag:$0x5] =	stream.linear.gather [hbm4b:s4+s2], $0x2000, $0x38;
	[tilespmem:$0xA040] =	vst v63  }
0x18: {  	_ =	swait.ge [sflag:s7], $0x2000  }
0x19: {  	[sflag:s7] =	ssyncset.done $0x0  }
0x1a: {  	[sflag:s7] =	ssyncadd.s32 $0xFFFFE000  }
0x1b: {  	[tilespmem:s9], [sflag:$0x1] =	stream.indirect.gather [hbm4b:s3+s8], $0x40, s2, s8, $0xb8;
	[tilespmem:$0xA040] =	vst v63  }
0x1c: {  	_ = 	snop  }
0x1d: {  	[tilespmem:s10], [sflag:$0x2] =	stream.indirect.gather [hbm4b:s3+s8], $0x40, s8, s8, $0xb8;
	[tilespmem:$0xA040] =	vst v63  }
0x1e: {  	_ = 	snop  }
0x1f: {  	[tilespmem:s12], [sflag:$0x3] =	stream.indirect.gather [hbm4b:s3+s8], $0x40, s11, s8, $0xb8;
	[tilespmem:$0xA040] =	vst v63  }
0x20: {  	v5 =	vimm.f32 $0.0e+00;
	s21 =	simm.s32 $0x0  }
0x21: {  	v7 =	vimm.f32 $0.0e+00;
	v1 =	vimm.f32 $0.0e+00;
	v3 =	vimm.f32 $0.0e+00;
	[tilespmem:s14], [sflag:$0x4] =	stream.indirect.gather [hbm4b:s3+s8], $0x40, s13, s8, $0xb8;
	[tilespmem:$0xA040] =	vst v63  }
.LBB2_2:
0x22: {  	_ =	swait.ge [sflag:s15], $0x2000  }
0x23: {  	[sflag:s15] =	ssyncset.done $0x0  }
0x24: {  	s24 =	simm.s32 $0x0;
	[sflag:s15] =	ssyncadd.s32 $0xFFFFE000  }
0x25: {  	v11 =	vld [tilespmem:s24+$0x2180]  }
0x26: {  	v14 =	vld [tilespmem:s24+$0x21C0]  }
0x27: {  	v15 =	vld [tilespmem:s24+$0x2190]  }
0x28: {  	v16 =	vld [tilespmem:s24+$0x21D0]  }
0x29: {  	v2 =	vld [tilespmem:s24+$0x21A0]  }
0x2a: {  	v4 =	vld [tilespmem:s24+$0x21E0]  }
0x2b: {  	v18 =	vld [tilespmem:s24+$0x2100]  }
0x2c: {  	v23 =	vld [tilespmem:s24+$0x2140]  }
0x2d: {  	v19 =	vld [tilespmem:s24+$0x2110]  }
0x2e: {  	v22 =	vld [tilespmem:s24+$0x2150]  }
0x2f: {  	v10 =	vld [tilespmem:s24+$0x2120]  }
0x30: {  	v13 =	vld [tilespmem:s24+$0x2160]  }
0x31: {  	v6 =	vld [tilespmem:s24+$0x2080]  }
0x32: {  	v8 =	vld [tilespmem:s24+$0x20C0]  }
0x33: {  	v9 =	vld [tilespmem:s24+$0x2000]  }
0x34: {  	v12 =	vld [tilespmem:s24+$0x2040]  }
0x35: {  	v17 =	vld [tilespmem:s24+$0x2010]  }
0x36: {  	v20 =	vld [tilespmem:s24+$0x2050]  }
0x37: {  	v21 =	vld [tilespmem:s24+$0x2090]  }
0x38: {  	v32 =	vld [tilespmem:s24+$0x20D0]  }
0x39: {  	v24 =	vld [tilespmem:s24+$0x20A0]  }
0x3a: {  	v25 =	vld [tilespmem:s24+$0x20E0];
	v3 =	vadd.f32 v9, v3;
	v9 =	vadd.f32 v12, v0  }
0x3b: {  	v26 =	vld [tilespmem:s24+$0x2020];
	v1 =	vadd.f32 v17, v1;
	v12 =	vadd.f32 v20, v0  }
0x3c: {  	v27 =	vld [tilespmem:s24+$0x2060];
	v20 =	vimm.f32 $0.0e+00;
	v29 =	vadd.f32 v6, v3;
	v31 =	vadd.f32 v8, v9  }
0x3d: {  	s22 =	simm.s32 $0x800;
	v28 =	vld [tilespmem:s24+$0x2030];
	v30 =	vadd.f32 v21, v1;
	v32 =	vadd.f32 v32, v12;
	v21 =	vimm.f32 $0.0e+00  }
.LBB2_3:
0x3e: {  	p0 =	sne.s32 s22, $0x7800;
	v1 =	vld [tilespmem:s24+$0x2070];
	v3 =	vadd.f32 v18, v29;
	v6 =	vadd.f32 v23, v31  }
0x3f: {  	v8 =	vld [tilespmem:s24+$0x20B0];
	v9 =	vadd.f32 v19, v30;
	v12 =	vadd.f32 v22, v32  }
0x40: {  	v17 =	vld [tilespmem:s24+$0x20F0];
	v3 =	vadd.f32 v11, v3;
	v6 =	vadd.f32 v14, v6  }
0x41: {  	v18 =	vld [tilespmem:s24+$0x2130];
	v9 =	vadd.f32 v15, v9;
	v12 =	vadd.f32 v16, v12  }
0x42: {  	v7 =	vadd.f32 v26, v7;
	v11 =	vadd.f32 v27, v21;
	v16 =	vld [tilespmem:s24+$0x2170]  }
0x43: {  	v5 =	vadd.f32 v28, v5;
	v1 =	vadd.f32 v1, v20;
	v19 =	vld [tilespmem:s24+$0x21B0]  }
0x44: {  	v7 =	vadd.f32 v24, v7;
	v15 =	vadd.f32 v25, v11;
	v20 =	vld [tilespmem:s24+$0x21F0];
	s24 =	sshra.s32 s22, $0x2  }
0x45: {  	v5 =	vadd.f32 v8, v5;
	v11 =	vld [tilespmem:s24+$0x2180];
	v1 =	vadd.f32 v17, v1  }
0x46: {  	v7 =	vadd.f32 v10, v7;
	v8 =	vadd.f32 v13, v15;
	v14 =	vld [tilespmem:s24+$0x21C0]  }
0x47: {  	v5 =	vadd.f32 v18, v5;
	v15 =	vld [tilespmem:s24+$0x2190];
	v1 =	vadd.f32 v16, v1  }
0x48: {  	v7 =	vadd.f32 v2, v7;
	v21 =	vadd.f32 v4, v8;
	v16 =	vld [tilespmem:s24+$0x21D0]  }
0x49: {  	v5 =	vadd.f32 v19, v5;
	v2 =	vld [tilespmem:s24+$0x21A0];
	v20 =	vadd.f32 v20, v1  }
0x4a: {  	v4 =	vld [tilespmem:s24+$0x21E0]  }
0x4b: {  	v18 =	vld [tilespmem:s24+$0x2100]  }
0x4c: {  	v23 =	vld [tilespmem:s24+$0x2140]  }
0x4d: {  	v19 =	vld [tilespmem:s24+$0x2110]  }
0x4e: {  	v22 =	vld [tilespmem:s24+$0x2150]  }
0x4f: {  	v10 =	vld [tilespmem:s24+$0x2120]  }
0x50: {  	v13 =	vld [tilespmem:s24+$0x2160]  }
0x51: {  	v1 =	vld [tilespmem:s24+$0x2080]  }
0x52: {  	v8 =	vld [tilespmem:s24+$0x20C0]  }
0x53: {  	v17 =	vld [tilespmem:s24+$0x2000]  }
0x54: {  	v25 =	vld [tilespmem:s24+$0x2040]  }
0x55: {  	v26 =	vld [tilespmem:s24+$0x2010]  }
0x56: {  	v27 =	vld [tilespmem:s24+$0x2050]  }
0x57: {  	v30 =	vld [tilespmem:s24+$0x2090]  }
0x58: {  	v32 =	vld [tilespmem:s24+$0x20D0]  }
.Ltmp2:
0x59: {  	v24 =	vld [tilespmem:s24+$0x20A0];
	(pc) =	sbr.rel @p0 .LBB2_3-.Ltmp2, $4  }
0x5a: {  	v3 =	vadd.f32 v17, v3;
	v6 =	vadd.f32 v25, v6;
	v25 =	vld [tilespmem:s24+$0x20E0]  }
0x5b: {  	v9 =	vadd.f32 v26, v9;
	v12 =	vadd.f32 v27, v12;
	v26 =	vld [tilespmem:s24+$0x2020]  }
0x5c: {  	v29 =	vadd.f32 v1, v3;
	v31 =	vadd.f32 v8, v6;
	v27 =	vld [tilespmem:s24+$0x2060]  }
0x5d: {  	s22 =	sadd.s32 $0x800, s22;
	v30 =	vadd.f32 v30, v9;
	v28 =	vld [tilespmem:s24+$0x2030];
	v32 =	vadd.f32 v32, v12  }
0x5e: {  	v33 =	vld [tilespmem:s24+$0x2070]  }
0x5f: {  	v34 =	vld [tilespmem:s24+$0x20B0]  }
0x60: {  	v35 =	vld [tilespmem:s24+$0x20F0]  }
0x61: {  	v36 =	vld [tilespmem:s24+$0x2130]  }
0x62: {  	v37 =	vld [tilespmem:s24+$0x2170];
	s22 =	sshll.u32 s21, $0xB;
	p0 =	seq.s32 s21, $0xF  }
0x63: {  	v38 =	vld [tilespmem:s24+$0x21B0];
	s23 =	sshrl.u32 @!p0 s22, $0x2  }
0x64: {  	v39 =	vld [tilespmem:s24+$0x21F0];
	s25 =	simm.s32 @!p0 $0x80;
	s26 =	simm.s32 @!p0 $0x2000;
	s24 =	sadd.s32 @!p0 $0x200, s23  }
0x65: {  	[tilespmem:s26], [sflag:$0x1] =	stream.indirect.gather @!p0 [hbm4b:s3+s25], $0x40, s24, s25, $0xb8;
	[tilespmem:$0xA040] =	vst v63  }
0x66: {  	_ =	swait.ge [sflag:s16], $0x2000  }
0x67: {  	[sflag:s16] =	ssyncset.done $0x0  }
0x68: {  	s24 =	simm.s32 $0x0;
	[sflag:s16] =	ssyncadd.s32 $0xFFFFE000  }
0x69: {  	v6 =	vld [tilespmem:s24+$0x4180]  }
0x6a: {  	v8 =	vld [tilespmem:s24+$0x41C0]  }
0x6b: {  	v9 =	vld [tilespmem:s24+$0x4190]  }
0x6c: {  	v12 =	vld [tilespmem:s24+$0x41D0]  }
0x6d: {  	v1 =	vld [tilespmem:s24+$0x41A0]  }
0x6e: {  	v3 =	vld [tilespmem:s24+$0x41E0]  }
0x6f: {  	v17 =	vld [tilespmem:s24+$0x4100]  }
0x70: {  	v29 =	vadd.f32 v18, v29;
	v23 =	vadd.f32 v23, v31;
	v18 =	vld [tilespmem:s24+$0x4140]  }
0x71: {  	v30 =	vadd.f32 v19, v30;
	v31 =	vadd.f32 v22, v32;
	v19 =	vld [tilespmem:s24+$0x4110]  }
0x72: {  	v29 =	vadd.f32 v11, v29;
	v23 =	vadd.f32 v14, v23;
	v22 =	vld [tilespmem:s24+$0x4150]  }
0x73: {  	v7 =	vadd.f32 v26, v7;
	v15 =	vadd.f32 v15, v30;
	v11 =	vld [tilespmem:s24+$0x4120]  }
0x74: {  	v16 =	vadd.f32 v16, v31;
	v21 =	vadd.f32 v27, v21;
	v14 =	vld [tilespmem:s24+$0x4160]  }
0x75: {  	v5 =	vadd.f32 v28, v5;
	v7 =	vadd.f32 v24, v7;
	v28 =	vld [tilespmem:s24+$0x4080]  }
0x76: {  	v20 =	vadd.f32 v33, v20;
	v21 =	vadd.f32 v25, v21;
	v30 =	vld [tilespmem:s24+$0x40C0]  }
0x77: {  	v5 =	vadd.f32 v34, v5;
	v7 =	vadd.f32 v10, v7;
	v25 =	vld [tilespmem:s24+$0x4000]  }
0x78: {  	v20 =	vadd.f32 v35, v20;
	v10 =	vadd.f32 v13, v21;
	v13 =	vld [tilespmem:s24+$0x4040]  }
0x79: {  	v23 =	vadd.f32 v23, v29;
	v26 =	vld [tilespmem:s24+$0x4010];
	v5 =	vadd.f32 v36, v5  }
0x7a: {  	v2 =	vadd.f32 v2, v7;
	v7 =	vld [tilespmem:s24+$0x4050];
	v20 =	vadd.f32 v37, v20  }
0x7b: {  	v15 =	vadd.f32 v16, v15;
	v31 =	vld [tilespmem:s24+$0x4090];
	v4 =	vadd.f32 v4, v10  }
0x7c: {  	v63 =	vld [tilespmem:s24+$0x40D0];
	v5 =	vadd.f32 v38, v5;
	v10 =	vadd.f32 v39, v20  }
0x7d: {  	v21 =	vimm.f32 $0.0e+00;
	v24 =	vld [tilespmem:s24+$0x40A0];
	v20 =	vadd.f32 v4, v2;
	v2 =	vadd.f32 v25, v23  }
0x7e: {  	v27 =	vld [tilespmem:s24+$0x4060];
	v4 =	vadd.f32 v13, v21;
	v16 =	vadd.f32 v10, v5  }
0x7f: {  	v25 =	vld [tilespmem:s24+$0x40E0];
	v5 =	vadd.f32 v26, v15;
	v7 =	vadd.f32 v7, v21  }
0x80: {  	v26 =	vld [tilespmem:s24+$0x4020];
	v29 =	vadd.f32 v28, v2;
	v30 =	vadd.f32 v30, v4  }
0x81: {  	s25 =	simm.s32 $0x800;
	v23 =	vimm.f32 $0.0e+00;
	v28 =	vld [tilespmem:s24+$0x4030];
	v31 =	vadd.f32 v31, v5;
	v32 =	vadd.f32 v63, v7  }
.LBB2_5:
0x82: {  	p1 =	sne.s32 s25, $0x7800;
	v2 =	vld [tilespmem:s24+$0x4070];
	v4 =	vadd.f32 v17, v29;
	v5 =	vadd.f32 v18, v30  }
0x83: {  	v7 =	vld [tilespmem:s24+$0x40B0];
	v10 =	vadd.f32 v19, v31;
	v13 =	vadd.f32 v22, v32  }
0x84: {  	v15 =	vld [tilespmem:s24+$0x40F0];
	v4 =	vadd.f32 v6, v4;
	v5 =	vadd.f32 v8, v5  }
0x85: {  	v17 =	vld [tilespmem:s24+$0x4130];
	v10 =	vadd.f32 v9, v10;
	v13 =	vadd.f32 v12, v13  }
0x86: {  	v6 =	vadd.f32 v26, v20;
	v8 =	vadd.f32 v27, v21;
	v12 =	vld [tilespmem:s24+$0x4170]  }
0x87: {  	v9 =	vadd.f32 v28, v16;
	v2 =	vadd.f32 v2, v23;
	v16 =	vld [tilespmem:s24+$0x41B0]  }
0x88: {  	v18 =	vadd.f32 v24, v6;
	v19 =	vadd.f32 v25, v8;
	v22 =	vld [tilespmem:s24+$0x41F0];
	s24 =	sshra.s32 s25, $0x2  }
0x89: {  	v7 =	vadd.f32 v7, v9;
	v6 =	vld [tilespmem:s24+$0x4180];
	v2 =	vadd.f32 v15, v2  }
0x8a: {  	v11 =	vadd.f32 v11, v18;
	v14 =	vadd.f32 v14, v19;
	v8 =	vld [tilespmem:s24+$0x41C0]  }
0x8b: {  	v7 =	vadd.f32 v17, v7;
	v9 =	vld [tilespmem:s24+$0x4190];
	v2 =	vadd.f32 v12, v2  }
0x8c: {  	v20 =	vadd.f32 v1, v11;
	v21 =	vadd.f32 v3, v14;
	v12 =	vld [tilespmem:s24+$0x41D0]  }
0x8d: {  	v16 =	vadd.f32 v16, v7;
	v1 =	vld [tilespmem:s24+$0x41A0];
	v23 =	vadd.f32 v22, v2  }
0x8e: {  	v3 =	vld [tilespmem:s24+$0x41E0]  }
0x8f: {  	v17 =	vld [tilespmem:s24+$0x4100]  }
0x90: {  	v18 =	vld [tilespmem:s24+$0x4140]  }
0x91: {  	v19 =	vld [tilespmem:s24+$0x4110]  }
0x92: {  	v22 =	vld [tilespmem:s24+$0x4150]  }
0x93: {  	v11 =	vld [tilespmem:s24+$0x4120]  }
0x94: {  	v14 =	vld [tilespmem:s24+$0x4160]  }
0x95: {  	v2 =	vld [tilespmem:s24+$0x4080]  }
0x96: {  	v7 =	vld [tilespmem:s24+$0x40C0]  }
0x97: {  	v15 =	vld [tilespmem:s24+$0x4000]  }
0x98: {  	v25 =	vld [tilespmem:s24+$0x4040]  }
0x99: {  	v26 =	vld [tilespmem:s24+$0x4010]  }
0x9a: {  	v27 =	vld [tilespmem:s24+$0x4050]  }
0x9b: {  	v31 =	vld [tilespmem:s24+$0x4090]  }
0x9c: {  	v32 =	vld [tilespmem:s24+$0x40D0]  }
.Ltmp3:
0x9d: {  	v24 =	vld [tilespmem:s24+$0x40A0];
	(pc) =	sbr.rel @p1 .LBB2_5-.Ltmp3, $4  }
0x9e: {  	v4 =	vadd.f32 v15, v4;
	v5 =	vadd.f32 v25, v5;
	v25 =	vld [tilespmem:s24+$0x40E0]  }
0x9f: {  	v10 =	vadd.f32 v26, v10;
	v13 =	vadd.f32 v27, v13;
	v26 =	vld [tilespmem:s24+$0x4020]  }
0xa0: {  	v29 =	vadd.f32 v2, v4;
	v30 =	vadd.f32 v7, v5;
	v27 =	vld [tilespmem:s24+$0x4060]  }
0xa1: {  	s25 =	sadd.s32 $0x800, s25;
	v31 =	vadd.f32 v31, v10;
	v28 =	vld [tilespmem:s24+$0x4030];
	v32 =	vadd.f32 v32, v13  }
0xa2: {  	v33 =	vld [tilespmem:s24+$0x4070]  }
0xa3: {  	v34 =	vld [tilespmem:s24+$0x40B0]  }
0xa4: {  	v35 =	vld [tilespmem:s24+$0x40F0]  }
0xa5: {  	v36 =	vld [tilespmem:s24+$0x4130]  }
0xa6: {  	v37 =	vld [tilespmem:s24+$0x4170]  }
0xa7: {  	v38 =	vld [tilespmem:s24+$0x41B0]  }
0xa8: {  	v39 =	vld [tilespmem:s24+$0x41F0];
	s24 =	sadd.s32 @!p0 $0x280, s23;
	s25 =	simm.s32 @!p0 $0x80;
	s26 =	simm.s32 @!p0 $0x4000  }
0xa9: {  	[tilespmem:s26], [sflag:$0x2] =	stream.indirect.gather @!p0 [hbm4b:s3+s25], $0x40, s24, s25, $0xb8;
	[tilespmem:$0xA040] =	vst v63  }
0xaa: {  	_ =	swait.ge [sflag:s17], $0x2000  }
0xab: {  	[sflag:s17] =	ssyncset.done $0x0  }
0xac: {  	s24 =	simm.s32 $0x0;
	[sflag:s17] =	ssyncadd.s32 $0xFFFFE000  }
0xad: {  	v5 =	vld [tilespmem:s24+$0x6180]  }
0xae: {  	v7 =	vld [tilespmem:s24+$0x61C0]  }
0xaf: {  	v10 =	vld [tilespmem:s24+$0x6190]  }
0xb0: {  	v13 =	vld [tilespmem:s24+$0x61D0]  }
0xb1: {  	v2 =	vld [tilespmem:s24+$0x61A0]  }
0xb2: {  	v4 =	vld [tilespmem:s24+$0x61E0]  }
0xb3: {  	v15 =	vld [tilespmem:s24+$0x6100]  }
0xb4: {  	v29 =	vadd.f32 v17, v29;
	v30 =	vadd.f32 v18, v30;
	v17 =	vld [tilespmem:s24+$0x6140]  }
0xb5: {  	v19 =	vadd.f32 v19, v31;
	v31 =	vadd.f32 v22, v32;
	v18 =	vld [tilespmem:s24+$0x6110]  }
0xb6: {  	v29 =	vadd.f32 v6, v29;
	v30 =	vadd.f32 v8, v30;
	v22 =	vld [tilespmem:s24+$0x6150]  }
0xb7: {  	v9 =	vadd.f32 v9, v19;
	v12 =	vadd.f32 v12, v31;
	v6 =	vld [tilespmem:s24+$0x6120]  }
0xb8: {  	v19 =	vadd.f32 v26, v20;
	v20 =	vadd.f32 v27, v21;
	v8 =	vld [tilespmem:s24+$0x6160]  }
0xb9: {  	v16 =	vadd.f32 v28, v16;
	v21 =	vadd.f32 v33, v23;
	v23 =	vld [tilespmem:s24+$0x6080]  }
0xba: {  	v27 =	vadd.f32 v30, v29;
	v19 =	vadd.f32 v24, v19;
	v28 =	vld [tilespmem:s24+$0x60C0]  }
0xbb: {  	v20 =	vadd.f32 v25, v20;
	v25 =	vld [tilespmem:s24+$0x6000];
	v21 =	vadd.f32 v35, v21  }
0xbc: {  	v26 =	vld [tilespmem:s24+$0x6040];
	v16 =	vadd.f32 v34, v16;
	v11 =	vadd.f32 v11, v19  }
0xbd: {  	v14 =	vadd.f32 v14, v20;
	v19 =	vadd.f32 v37, v21;
	v21 =	vld [tilespmem:s24+$0x6010]  }
0xbe: {  	v16 =	vadd.f32 v36, v16;
	v1 =	vadd.f32 v1, v11;
	v11 =	vld [tilespmem:s24+$0x6050]  }
0xbf: {  	v31 =	vld [tilespmem:s24+$0x6090];
	v9 =	vadd.f32 v12, v9;
	v3 =	vadd.f32 v3, v14  }
0xc0: {  	v12 =	vld [tilespmem:s24+$0x60D0];
	v14 =	vadd.f32 v38, v16;
	v16 =	vadd.f32 v39, v19  }
0xc1: {  	v24 =	vld [tilespmem:s24+$0x60A0];
	v20 =	vimm.f32 $0.0e+00;
	v19 =	vadd.f32 v3, v1;
	v1 =	vadd.f32 v25, v27  }
0xc2: {  	v3 =	vadd.f32 v26, v20;
	v25 =	vld [tilespmem:s24+$0x60E0];
	v16 =	vadd.f32 v16, v14  }
0xc3: {  	v26 =	vld [tilespmem:s24+$0x6020];
	v9 =	vadd.f32 v21, v9;
	v11 =	vadd.f32 v11, v20  }
0xc4: {  	v27 =	vld [tilespmem:s24+$0x6060];
	v29 =	vadd.f32 v23, v1;
	v30 =	vadd.f32 v28, v3  }
0xc5: {  	s25 =	simm.s32 $0x800;
	v28 =	vld [tilespmem:s24+$0x6030];
	v21 =	vimm.f32 $0.0e+00;
	v31 =	vadd.f32 v31, v9;
	v32 =	vadd.f32 v12, v11  }
.LBB2_7:
0xc6: {  	p1 =	sne.s32 s25, $0x7800;
	v1 =	vld [tilespmem:s24+$0x6070];
	v3 =	vadd.f32 v15, v29;
	v9 =	vadd.f32 v17, v30  }
0xc7: {  	v11 =	vld [tilespmem:s24+$0x60B0];
	v12 =	vadd.f32 v18, v31;
	v14 =	vadd.f32 v22, v32  }
0xc8: {  	v15 =	vld [tilespmem:s24+$0x60F0];
	v3 =	vadd.f32 v5, v3;
	v9 =	vadd.f32 v7, v9  }
0xc9: {  	v17 =	vld [tilespmem:s24+$0x6130];
	v12 =	vadd.f32 v10, v12;
	v14 =	vadd.f32 v13, v14  }
0xca: {  	v5 =	vadd.f32 v26, v19;
	v7 =	vadd.f32 v27, v20;
	v13 =	vld [tilespmem:s24+$0x6170]  }
0xcb: {  	v10 =	vadd.f32 v28, v16;
	v1 =	vadd.f32 v1, v21;
	v16 =	vld [tilespmem:s24+$0x61B0]  }
0xcc: {  	v18 =	vadd.f32 v24, v5;
	v19 =	vadd.f32 v25, v7;
	v21 =	vld [tilespmem:s24+$0x61F0];
	s24 =	sshra.s32 s25, $0x2  }
0xcd: {  	v11 =	vadd.f32 v11, v10;
	v5 =	vld [tilespmem:s24+$0x6180];
	v1 =	vadd.f32 v15, v1  }
0xce: {  	v6 =	vadd.f32 v6, v18;
	v8 =	vadd.f32 v8, v19;
	v7 =	vld [tilespmem:s24+$0x61C0]  }
0xcf: {  	v11 =	vadd.f32 v17, v11;
	v10 =	vld [tilespmem:s24+$0x6190];
	v1 =	vadd.f32 v13, v1  }
0xd0: {  	v19 =	vadd.f32 v2, v6;
	v20 =	vadd.f32 v4, v8;
	v13 =	vld [tilespmem:s24+$0x61D0]  }
0xd1: {  	v16 =	vadd.f32 v16, v11;
	v2 =	vld [tilespmem:s24+$0x61A0];
	v21 =	vadd.f32 v21, v1  }
0xd2: {  	v4 =	vld [tilespmem:s24+$0x61E0]  }
0xd3: {  	v15 =	vld [tilespmem:s24+$0x6100]  }
0xd4: {  	v17 =	vld [tilespmem:s24+$0x6140]  }
0xd5: {  	v18 =	vld [tilespmem:s24+$0x6110]  }
0xd6: {  	v22 =	vld [tilespmem:s24+$0x6150]  }
0xd7: {  	v6 =	vld [tilespmem:s24+$0x6120]  }
0xd8: {  	v8 =	vld [tilespmem:s24+$0x6160]  }
0xd9: {  	v1 =	vld [tilespmem:s24+$0x6080]  }
0xda: {  	v11 =	vld [tilespmem:s24+$0x60C0]  }
0xdb: {  	v23 =	vld [tilespmem:s24+$0x6000]  }
0xdc: {  	v25 =	vld [tilespmem:s24+$0x6040]  }
0xdd: {  	v26 =	vld [tilespmem:s24+$0x6010]  }
0xde: {  	v27 =	vld [tilespmem:s24+$0x6050]  }
0xdf: {  	v31 =	vld [tilespmem:s24+$0x6090]  }
0xe0: {  	v32 =	vld [tilespmem:s24+$0x60D0]  }
.Ltmp4:
0xe1: {  	v24 =	vld [tilespmem:s24+$0x60A0];
	(pc) =	sbr.rel @p1 .LBB2_7-.Ltmp4, $4  }
0xe2: {  	v3 =	vadd.f32 v23, v3;
	v9 =	vadd.f32 v25, v9;
	v25 =	vld [tilespmem:s24+$0x60E0]  }
0xe3: {  	v12 =	vadd.f32 v26, v12;
	v14 =	vadd.f32 v27, v14;
	v26 =	vld [tilespmem:s24+$0x6020]  }
0xe4: {  	v29 =	vadd.f32 v1, v3;
	v30 =	vadd.f32 v11, v9;
	v27 =	vld [tilespmem:s24+$0x6060]  }
0xe5: {  	s25 =	sadd.s32 $0x800, s25;
	v31 =	vadd.f32 v31, v12;
	v28 =	vld [tilespmem:s24+$0x6030];
	v32 =	vadd.f32 v32, v14  }
0xe6: {  	v33 =	vld [tilespmem:s24+$0x6070]  }
0xe7: {  	v34 =	vld [tilespmem:s24+$0x60B0]  }
0xe8: {  	v35 =	vld [tilespmem:s24+$0x60F0]  }
0xe9: {  	v36 =	vld [tilespmem:s24+$0x6130]  }
0xea: {  	v37 =	vld [tilespmem:s24+$0x6170]  }
0xeb: {  	v38 =	vld [tilespmem:s24+$0x61B0]  }
0xec: {  	v39 =	vld [tilespmem:s24+$0x61F0];
	s23 =	sadd.s32 @!p0 $0x300, s23;
	s24 =	simm.s32 @!p0 $0x80;
	s25 =	simm.s32 @!p0 $0x6000  }
0xed: {  	[tilespmem:s25], [sflag:$0x3] =	stream.indirect.gather @!p0 [hbm4b:s3+s24], $0x40, s23, s24, $0xb8;
	[tilespmem:$0xA040] =	vst v63  }
0xee: {  	_ =	swait.ge [sflag:s18], $0x2000  }
0xef: {  	[sflag:s18] =	ssyncset.done $0x0  }
0xf0: {  	s23 =	simm.s32 $0x0;
	[sflag:s18] =	ssyncadd.s32 $0xFFFFE000  }
0xf1: {  	v9 =	vld [tilespmem:s23+$0x8180]  }
0xf2: {  	v11 =	vld [tilespmem:s23+$0x81C0]  }
0xf3: {  	v12 =	vld [tilespmem:s23+$0x8190]  }
0xf4: {  	v14 =	vld [tilespmem:s23+$0x81D0]  }
0xf5: {  	v1 =	vld [tilespmem:s23+$0x81A0]  }
0xf6: {  	v3 =	vld [tilespmem:s23+$0x81E0]  }
0xf7: {  	v23 =	vld [tilespmem:s23+$0x8100]  }
0xf8: {  	v29 =	vadd.f32 v15, v29;
	v30 =	vadd.f32 v17, v30;
	v15 =	vld [tilespmem:s23+$0x8140]  }
0xf9: {  	v31 =	vadd.f32 v18, v31;
	v22 =	vadd.f32 v22, v32;
	v17 =	vld [tilespmem:s23+$0x8110]  }
0xfa: {  	v29 =	vadd.f32 v5, v29;
	v30 =	vadd.f32 v7, v30;
	v18 =	vld [tilespmem:s23+$0x8150]  }
0xfb: {  	v19 =	vadd.f32 v26, v19;
	v10 =	vadd.f32 v10, v31;
	v5 =	vld [tilespmem:s23+$0x8120]  }
0xfc: {  	v13 =	vadd.f32 v13, v22;
	v20 =	vadd.f32 v27, v20;
	v7 =	vld [tilespmem:s23+$0x8160]  }
0xfd: {  	v16 =	vadd.f32 v28, v16;
	v21 =	vadd.f32 v33, v21;
	v22 =	vld [tilespmem:s23+$0x8080]  }
0xfe: {  	v19 =	vadd.f32 v24, v19;
	v20 =	vadd.f32 v25, v20;
	v24 =	vld [tilespmem:s23+$0x80C0]  }
0xff: {  	v25 =	vld [tilespmem:s23+$0x8000];
	v16 =	vadd.f32 v34, v16;
	v21 =	vadd.f32 v35, v21  }
0x100: {  	v6 =	vadd.f32 v6, v19;
	v19 =	vld [tilespmem:s23+$0x8040];
	v8 =	vadd.f32 v8, v20  }
0x101: {  	v16 =	vadd.f32 v36, v16;
	v20 =	vadd.f32 v37, v21;
	v21 =	vld [tilespmem:s23+$0x8010]  }
0x102: {  	v2 =	vadd.f32 v2, v6;
	v4 =	vadd.f32 v4, v8;
	v8 =	vld [tilespmem:s23+$0x8050]  }
0x103: {  	v26 =	vld [tilespmem:s23+$0x8090];
	v6 =	vadd.f32 v38, v16;
	v16 =	vadd.f32 v39, v20  }
0x104: {  	v27 =	vadd.f32 v13, v10;
	v63 =	vld [tilespmem:s23+$0x80D0];
	v20 =	vadd.f32 v30, v29  }
0x105: {  	v10 =	vld [tilespmem:s23+$0x80A0];
	v4 =	vadd.f32 v4, v2;
	v2 =	vadd.f32 v16, v6;
	v6 =	vimm.f32 $0.0e+00  }
0x106: {  	v13 =	vld [tilespmem:s23+$0x80E0];
	v20 =	vadd.f32 v25, v20;
	v25 =	vadd.f32 v19, v6  }
0x107: {  	v16 =	vld [tilespmem:s23+$0x8020];
	v27 =	vadd.f32 v21, v27;
	v8 =	vadd.f32 v8, v6  }
0x108: {  	v19 =	vld [tilespmem:s23+$0x8060];
	v21 =	vadd.f32 v22, v20;
	v22 =	vadd.f32 v24, v25  }
0x109: {  	s24 =	simm.s32 $0x800;
	v20 =	vld [tilespmem:s23+$0x8030];
	v24 =	vadd.f32 v26, v27;
	v25 =	vadd.f32 v63, v8;
	v8 =	vimm.f32 $0.0e+00  }
.LBB2_9:
0x10a: {  	p1 =	sne.s32 s24, $0x7800;
	v26 =	vld [tilespmem:s23+$0x8070];
	v21 =	vadd.f32 v23, v21;
	v15 =	vadd.f32 v15, v22  }
0x10b: {  	v22 =	vld [tilespmem:s23+$0x80B0];
	v17 =	vadd.f32 v17, v24;
	v18 =	vadd.f32 v18, v25  }
0x10c: {  	v23 =	vld [tilespmem:s23+$0x80F0];
	v21 =	vadd.f32 v9, v21;
	v24 =	vadd.f32 v11, v15  }
0x10d: {  	v15 =	vld [tilespmem:s23+$0x8130];
	v25 =	vadd.f32 v12, v17;
	v27 =	vadd.f32 v14, v18  }
0x10e: {  	v4 =	vadd.f32 v16, v4;
	v6 =	vadd.f32 v19, v6;
	v14 =	vld [tilespmem:s23+$0x8170]  }
0x10f: {  	v2 =	vadd.f32 v20, v2;
	v8 =	vadd.f32 v26, v8;
	v16 =	vld [tilespmem:s23+$0x81B0]  }
0x110: {  	v4 =	vadd.f32 v10, v4;
	v6 =	vadd.f32 v13, v6;
	v10 =	vld [tilespmem:s23+$0x81F0];
	s23 =	sshra.s32 s24, $0x2  }
0x111: {  	v2 =	vadd.f32 v22, v2;
	v9 =	vld [tilespmem:s23+$0x8180];
	v8 =	vadd.f32 v23, v8  }
0x112: {  	v4 =	vadd.f32 v5, v4;
	v5 =	vadd.f32 v7, v6;
	v11 =	vld [tilespmem:s23+$0x81C0]  }
0x113: {  	v2 =	vadd.f32 v15, v2;
	v12 =	vld [tilespmem:s23+$0x8190];
	v7 =	vadd.f32 v14, v8  }
0x114: {  	v4 =	vadd.f32 v1, v4;
	v6 =	vadd.f32 v3, v5;
	v14 =	vld [tilespmem:s23+$0x81D0]  }
0x115: {  	v2 =	vadd.f32 v16, v2;
	v1 =	vld [tilespmem:s23+$0x81A0];
	v8 =	vadd.f32 v10, v7  }
0x116: {  	v3 =	vld [tilespmem:s23+$0x81E0]  }
0x117: {  	v23 =	vld [tilespmem:s23+$0x8100]  }
0x118: {  	v15 =	vld [tilespmem:s23+$0x8140]  }
0x119: {  	v17 =	vld [tilespmem:s23+$0x8110]  }
0x11a: {  	v18 =	vld [tilespmem:s23+$0x8150]  }
0x11b: {  	v5 =	vld [tilespmem:s23+$0x8120]  }
0x11c: {  	v7 =	vld [tilespmem:s23+$0x8160]  }
0x11d: {  	v20 =	vld [tilespmem:s23+$0x8080]  }
0x11e: {  	v22 =	vld [tilespmem:s23+$0x80C0]  }
0x11f: {  	v13 =	vld [tilespmem:s23+$0x8000]  }
0x120: {  	v16 =	vld [tilespmem:s23+$0x8040]  }
0x121: {  	v19 =	vld [tilespmem:s23+$0x8010]  }
0x122: {  	v26 =	vld [tilespmem:s23+$0x8050]  }
0x123: {  	v28 =	vld [tilespmem:s23+$0x8090]  }
0x124: {  	v29 =	vld [tilespmem:s23+$0x80D0]  }
.Ltmp5:
0x125: {  	v10 =	vld [tilespmem:s23+$0x80A0];
	(pc) =	sbr.rel @p1 .LBB2_9-.Ltmp5, $4  }
0x126: {  	v21 =	vadd.f32 v13, v21;
	v24 =	vadd.f32 v16, v24;
	v13 =	vld [tilespmem:s23+$0x80E0]  }
0x127: {  	v25 =	vadd.f32 v19, v25;
	v26 =	vadd.f32 v26, v27;
	v16 =	vld [tilespmem:s23+$0x8020]  }
0x128: {  	v21 =	vadd.f32 v20, v21;
	v22 =	vadd.f32 v22, v24;
	v19 =	vld [tilespmem:s23+$0x8060]  }
0x129: {  	s24 =	sadd.s32 $0x800, s24;
	v24 =	vadd.f32 v28, v25;
	v20 =	vld [tilespmem:s23+$0x8030];
	v25 =	vadd.f32 v29, v26  }
0x12a: {  	v26 =	vld [tilespmem:s23+$0x8070];
	v21 =	vadd.f32 v23, v21;
	v15 =	vadd.f32 v15, v22  }
0x12b: {  	v58 =	vld [tilespmem:s23+$0x80B0];
	v17 =	vadd.f32 v17, v24;
	v18 =	vadd.f32 v18, v25  }
0x12c: {  	v59 =	vld [tilespmem:s23+$0x80F0];
	v9 =	vadd.f32 v9, v21;
	v11 =	vadd.f32 v11, v15  }
0x12d: {  	v60 =	vld [tilespmem:s23+$0x8130];
	v4 =	vadd.f32 v16, v4;
	v12 =	vadd.f32 v12, v17  }
0x12e: {  	v61 =	vld [tilespmem:s23+$0x8170];
	v14 =	vadd.f32 v14, v18;
	v6 =	vadd.f32 v19, v6  }
0x12f: {  	v62 =	vld [tilespmem:s23+$0x81B0];
	v2 =	vadd.f32 v20, v2;
	v8 =	vadd.f32 v26, v8  }
0x130: {  	v63 =	vld [tilespmem:s23+$0x81F0];
	v4 =	vadd.f32 v10, v4;
	v6 =	vadd.f32 v13, v6  }
0x131: {  	v2 =	vadd.f32 v58, v2;
	v8 =	vadd.f32 v59, v8  }
0x132: {  	v4 =	vadd.f32 v5, v4;
	v5 =	vadd.f32 v7, v6  }
.Ltmp6:
0x133: {  	v2 =	vadd.f32 v60, v2;
	v6 =	vadd.f32 v61, v8;
	(pc) =	sbr.rel @p0 .LBB2_12-.Ltmp6, $4  }
0x134: {  	v4 =	vadd.f32 v1, v4;
	v5 =	vadd.f32 v3, v5  }
0x135: {  	v2 =	vadd.f32 v62, v2;
	v6 =	vadd.f32 v63, v6  }
0x136: {  	v1 =	vadd.f32 v14, v12;
	v3 =	vadd.f32 v11, v9  }
0x137: {  	v7 =	vadd.f32 v5, v4;
	v5 =	vadd.f32 v6, v2  }
.Ltmp7:
0x138: {  	(pc) =	sbr.rel .LBB2_2-.Ltmp7, $4  }
0x139: {  	_ = 	snop  }
0x13a: {  	s22 =	sshrl.u32 s22, $0x2  }
0x13b: {  	s21 =	sadd.s32 $0x1, s21;
	s22 =	sadd.s32 $0x380, s22  }
0x13c: {  	[tilespmem:s14], [sflag:$0x4] =	stream.indirect.gather [hbm4b:s3+s8], $0x40, s22, s8, $0xb8;
	[tilespmem:$0xA040] =	vst v63  }
.LBB2_13:
0x13d: {  	_ =	sfence.sel $0x180000  }
0x13e: {  	[bflag:$0x0] =	sbarrier.arrive $0xFFFF  }
0x13f: {  	p0 =	sne.s32 s1, $0x0;
	_ =	strace $0x90000047  }
0x140: {  	s0 =	sadd.s32 @!p0 $0x100000, s0;
	[bflag:$0x2] =	sbarrier.arrive $0xFFFF  }
0x141: {  	[sflag:s0] =	ssyncadd.tile.s32 @!p0 $0x1;
	_ =	shalt  }
.Lfunc_end2:
_tile_overlayer_lowered:
.L_overlay_start_2:
0x142: {  	(tag) =	ssettag $0x2  }
0x143: {  	s0 =	rddreg [dreg:$0x0];
	s2 =	stileid.u32  }
0x144: {  	s1 =	rddreg [dreg:$0x1];
	p0 =	sne.s32 s2, $0x0  }
0x145: {  	s3 =	rddreg [dreg:$0x2];
	[bflag:$0x3] =	sbarrier.arrive $0xFFFF;
	s2 =	simm.s32 @!p0 $0x1C05  }
0x146: {  	[timem:s3], [sflag:s2] =	dma.local @!p0 [hbm:s0], s1  }
0x147: {  	s0 =	simm.s32 @!p0 $0x5  }
0x148: {  	_ =	swait.ge @!p0 [sflag:s0], s1  }
0x149: {  	s1 =	ssub.s32 @!p0 $0x0, s1;
	[sflag:s0] =	ssyncset.done @!p0 $0x0  }
0x14a: {  	[sflag:s0] =	ssyncadd.s32 @!p0 s1  }
0x14b: {  	[bflag:$0x3] =	sbarrier.arrive $0xFFFF  }
0x14c: {  	_ =	shalt  }

</sc_bundles>
